<compile_context>
chip_gen: v7x
topology: tpu7x:2x2x1
jax: 0.10.2.dev20260603
libtpu: 0.0.44.dev20260713+nightly
codegen_flags: <defaults>
</compile_context>

<pallas_src>
import functools

import numpy as np
import jax
import jax.numpy as jnp
from jax import lax
from jax.experimental import pallas as pl
from jax.experimental.pallas import tpu as pltpu
from jax.experimental.pallas import tpu_sc as plsc

_LMAX = 3
_CMAX = 128
_SRC = (_LMAX + 1) * _CMAX
_DST = (_LMAX + 1) ** 2 * _CMAX
_N = 50000

_NC, _NS = 2, 16
_NW = _NC * _NS
_R = 16
_NBLK = _N // _R
_BLK_PER_W = -(-_NBLK // _NW)
_IN_BLK = _R * _SRC
_OUT_BLK = _R * _DST

_IDX_NP = np.array(
    [l * _CMAX + c
     for l in range(_LMAX + 1)
     for c in range(_CMAX)
     for _ in range(2 * l + 1)],
    dtype=np.int32,
)
_TIDX_NP = (_IDX_NP // 128) * 1024 + _IDX_NP % 128


def _make_expand():
    mesh = plsc.VectorSubcoreMesh(
        core_axis_name="c", subcore_axis_name="s",
        num_cores=_NC, num_subcores=_NS)

    @functools.partial(
        pl.kernel,
        out_type=jax.ShapeDtypeStruct((_NBLK * _OUT_BLK,), jnp.float32),
        mesh=mesh,
        scratch_types=[
            pltpu.VMEM((_DST,), jnp.int32),
            pltpu.VMEM((_IN_BLK,), jnp.float32),
            pltpu.VMEM((_IN_BLK,), jnp.float32),
            pltpu.VMEM((_IN_BLK,), jnp.float32),
            pltpu.VMEM((_OUT_BLK,), jnp.float32),
            pltpu.VMEM((_OUT_BLK,), jnp.float32),
            pltpu.VMEM((_OUT_BLK,), jnp.float32),
            pltpu.SemaphoreType.DMA,
            pltpu.SemaphoreType.DMA,
            pltpu.SemaphoreType.DMA,
            pltpu.SemaphoreType.DMA,
            pltpu.SemaphoreType.DMA,
            pltpu.SemaphoreType.DMA,
        ],
        compiler_params=pltpu.CompilerParams(
            use_tc_tiling_on_sc=False, needs_layout_passes=False),
    )
    def expand(x_hbm, idx_hbm, out_hbm,
               idx_v, in_v0, in_v1, in_v2, out_v0, out_v1, out_v2,
               in_s0, in_s1, in_s2, out_s0, out_s1, out_s2):
        wid = lax.axis_index("s") * _NC + lax.axis_index("c")
        in_bufs, out_bufs = (in_v0, in_v1, in_v2), (out_v0, out_v1, out_v2)
        in_sems, out_sems = (in_s0, in_s1, in_s2), (out_s0, out_s1, out_s2)
        pltpu.sync_copy(idx_hbm, idx_v)
        roffs = [jnp.full((16,), (r // 8) * 4096 + (r % 8) * 128, jnp.int32)
                 for r in range(_R)]
        soffs = [(r // 8) * 16384 + (r % 8) * 128 for r in range(_R)]

        for p in range(2):
            b = wid + p * _NW

            @pl.when(b < _NBLK)
            def _(b=b, p=p):
                pltpu.async_copy(
                    x_hbm.at[pl.ds(b * _IN_BLK, _IN_BLK)],
                    in_bufs[p], in_sems[p])

        def iter_body(i, carry):
            for q in range(3):
                k = i * 3 + q
                p = q
                b = wid + k * _NW

                @pl.when(b < _NBLK)
                def _(k=k, b=b, p=p):
                    pltpu.make_async_copy(
                        x_hbm.at[pl.ds(b * _IN_BLK, _IN_BLK)], in_bufs[p],
                        in_sems[p]).wait()

                    @pl.when(k >= 3)
                    def _():
                        pltpu.make_async_copy(
                            out_bufs[p],
                            out_hbm.at[pl.ds(b * _OUT_BLK, _OUT_BLK)],
                            out_sems[p]).wait()

                    b2 = wid + (k + 2) * _NW
                    p2 = (q + 2) % 3

                    @pl.when(b2 < _NBLK)
                    def _():
                        pltpu.async_copy(
                            x_hbm.at[pl.ds(b2 * _IN_BLK, _IN_BLK)],
                            in_bufs[p2], in_sems[p2])

                    @plsc.parallel_loop(0, _DST // 16, 1, unroll=2)
                    def g_body(g):
                        base = g * 16
                        soff = base + (g >> 3) * 896
                        tg = idx_v[pl.ds(base, 16)]
                        for r in range(_R):
                            out_bufs[p][pl.ds(soff + soffs[r], 16)] = (
                                plsc.load_gather(in_bufs[p], [tg + roffs[r]]))

                    pltpu.async_copy(
                        out_bufs[p],
                        out_hbm.at[pl.ds(b * _OUT_BLK, _OUT_BLK)],
                        out_sems[p])

            return carry

        lax.fori_loop(0, -(-_BLK_PER_W // 3), iter_body, 0)

        for k in range(_BLK_PER_W - 4, _BLK_PER_W):
            p = k % 3
            b = wid + k * _NW
            b3 = wid + (k + 3) * _NW

            @pl.when((b < _NBLK) & (b3 >= _NBLK))
            def _(b=b, p=p):
                pltpu.make_async_copy(
                    out_bufs[p], out_hbm.at[pl.ds(b * _OUT_BLK, _OUT_BLK)],
                    out_sems[p]).wait()

    return expand


_EXPAND = _make_expand()


def kernel(x):
    xt = x.reshape(_N // 8, 8, _SRC // 128, 128)
    xt = xt.transpose(0, 2, 1, 3).reshape(-1)
    outf = _EXPAND(xt, jnp.asarray(_TIDX_NP))
    out = outf.reshape(_N // 8, _DST // 128, 8, 128)
    return out.transpose(0, 2, 1, 3).reshape(_N, _DST)

# --- scband reference (transcript-rebuilt; emitter-appended) ---
"""Pipeline reference for scband-broadcast-gtotensor-6889127543178 (READ-ONLY COPY).

The authoritative reference and input builder live on the scoring server;
editing this copy changes nothing except your own understanding.
"""

import jax, jax.numpy as jnp
import numpy as np

LMAX = 3
CMAX = 128
SRC_DIM = (LMAX + 1) * CMAX          # 512
DST_DIM = (LMAX + 1) ** 2 * CMAX     # 2048
N = 50000


def _lc2lcm_indices():
    # lc -> lcm broadcast indices, identical to the torch module
    idx = [l * CMAX + c
           for l in range(LMAX + 1)
           for c in range(CMAX)
           for _ in range(2 * l + 1)]
    return jnp.array(idx, dtype=jnp.int32)


def setup_inputs(seed: int = 0) -> dict:
    key = jax.random.key(seed)
    x = jax.random.normal(key, (N, SRC_DIM), dtype=jnp.float32)
    return {"x": x}


def reference(x):
    assert x.shape[-1] == SRC_DIM
    indices = _lc2lcm_indices()
    # x[..., indices] : gather along last dim, shape (..., DST_DIM)
    return jnp.take(x, indices, axis=-1)

if __name__ == "__main__":
    import jax
    _d = setup_inputs()
    print(jax.jit(kernel)(*tuple(_d.values())))

</pallas_src>

<mosaic_0001>
#map = affine_map<(d0, d1) -> (0)>
module attributes {stable_mosaic.version = 14 : i64} {
  func.func @expand(%arg0: i32, %arg1: i32, %arg2: memref<25600000xf32, #tpu.memory_space<hbm>>, %arg3: memref<2048xi32, #tpu.memory_space<hbm>>, %arg4: memref<102400000xf32, #tpu.memory_space<hbm>>, %arg5: memref<2048xi32, #tpu.memory_space<vmem>>, %arg6: memref<8192xf32, #tpu.memory_space<vmem>>, %arg7: memref<8192xf32, #tpu.memory_space<vmem>>, %arg8: memref<8192xf32, #tpu.memory_space<vmem>>, %arg9: memref<32768xf32, #tpu.memory_space<vmem>>, %arg10: memref<32768xf32, #tpu.memory_space<vmem>>, %arg11: memref<32768xf32, #tpu.memory_space<vmem>>, %arg12: memref<!tpu.dma_semaphore, #tpu.memory_space<semaphore_mem>>, %arg13: memref<!tpu.dma_semaphore, #tpu.memory_space<semaphore_mem>>, %arg14: memref<!tpu.dma_semaphore, #tpu.memory_space<semaphore_mem>>, %arg15: memref<!tpu.dma_semaphore, #tpu.memory_space<semaphore_mem>>, %arg16: memref<!tpu.dma_semaphore, #tpu.memory_space<semaphore_mem>>, %arg17: memref<!tpu.dma_semaphore, #tpu.memory_space<semaphore_mem>>) attributes {dimension_semantics = [#tpu.dimension_semantics<core_parallel>, #tpu.dimension_semantics<subcore_parallel>], iteration_bounds = array<i64: 2, 16>, scalar_prefetch = 0 : i64, scratch_operands = 13 : i64, tpu.core_type = #tpu.core_type<sc_vector_subcore>, window_params = [{transform_indices = #map}, {transform_indices = #map}, {transform_indices = #map}]} {
    %mul3A = arith.constant 2 : i32
    %mul3A_0 = arith.muli %arg1, %mul3A : i32
    %add3A = arith.addi %mul3A_0, %arg0 : i32
    "tpu.region"() ({
      %run_scoped3A = tpu.sem_alloc : memref<!tpu.dma_semaphore, #tpu.memory_space<semaphore_mem>>
      tpu.enqueue_dma source(%arg3 : memref<2048xi32, #tpu.memory_space<hbm>>) target(%arg5 : memref<2048xi32, #tpu.memory_space<vmem>>) target_semaphore(%run_scoped3A : memref<!tpu.dma_semaphore, #tpu.memory_space<semaphore_mem>>)
      tpu.wait_dma2 semaphore(%run_scoped3A : memref<!tpu.dma_semaphore, #tpu.memory_space<semaphore_mem>>) src(%arg3 : memref<2048xi32, #tpu.memory_space<hbm>>) dst(%arg5 : memref<2048xi32, #tpu.memory_space<vmem>>)
      tpu.yield
    }) : () -> ()
    %broadcast_in_dim3A = arith.constant 0 : i32
    %broadcast_in_dim3A_1 = vector.broadcast %broadcast_in_dim3A : i32 to vector<16xi32>
    %broadcast_in_dim3A_2 = arith.constant 128 : i32
    %broadcast_in_dim3A_3 = vector.broadcast %broadcast_in_dim3A_2 : i32 to vector<16xi32>
    %broadcast_in_dim3A_4 = arith.constant 256 : i32
    %broadcast_in_dim3A_5 = vector.broadcast %broadcast_in_dim3A_4 : i32 to vector<16xi32>
    %broadcast_in_dim3A_6 = arith.constant 384 : i32
    %broadcast_in_dim3A_7 = vector.broadcast %broadcast_in_dim3A_6 : i32 to vector<16xi32>
    %broadcast_in_dim3A_8 = arith.constant 512 : i32
    %broadcast_in_dim3A_9 = vector.broadcast %broadcast_in_dim3A_8 : i32 to vector<16xi32>
    %broadcast_in_dim3A_10 = arith.constant 640 : i32
    %broadcast_in_dim3A_11 = vector.broadcast %broadcast_in_dim3A_10 : i32 to vector<16xi32>
    %broadcast_in_dim3A_12 = arith.constant 768 : i32
    %broadcast_in_dim3A_13 = vector.broadcast %broadcast_in_dim3A_12 : i32 to vector<16xi32>
    %broadcast_in_dim3A_14 = arith.constant 896 : i32
    %broadcast_in_dim3A_15 = vector.broadcast %broadcast_in_dim3A_14 : i32 to vector<16xi32>
    %broadcast_in_dim3A_16 = arith.constant 4096 : i32
    %broadcast_in_dim3A_17 = vector.broadcast %broadcast_in_dim3A_16 : i32 to vector<16xi32>
    %broadcast_in_dim3A_18 = arith.constant 4224 : i32
    %broadcast_in_dim3A_19 = vector.broadcast %broadcast_in_dim3A_18 : i32 to vector<16xi32>
    %broadcast_in_dim3A_20 = arith.constant 4352 : i32
    %broadcast_in_dim3A_21 = vector.broadcast %broadcast_in_dim3A_20 : i32 to vector<16xi32>
    %broadcast_in_dim3A_22 = arith.constant 4480 : i32
    %broadcast_in_dim3A_23 = vector.broadcast %broadcast_in_dim3A_22 : i32 to vector<16xi32>
    %broadcast_in_dim3A_24 = arith.constant 4608 : i32
    %broadcast_in_dim3A_25 = vector.broadcast %broadcast_in_dim3A_24 : i32 to vector<16xi32>
    %broadcast_in_dim3A_26 = arith.constant 4736 : i32
    %broadcast_in_dim3A_27 = vector.broadcast %broadcast_in_dim3A_26 : i32 to vector<16xi32>
    %broadcast_in_dim3A_28 = arith.constant 4864 : i32
    %broadcast_in_dim3A_29 = vector.broadcast %broadcast_in_dim3A_28 : i32 to vector<16xi32>
    %broadcast_in_dim3A_30 = arith.constant 4992 : i32
    %broadcast_in_dim3A_31 = vector.broadcast %broadcast_in_dim3A_30 : i32 to vector<16xi32>
    %add3A_32 = arith.constant 0 : i32
    %add3A_33 = arith.addi %add3A, %add3A_32 : i32
    %lt3A = arith.constant 3125 : i32
    %lt3A_34 = arith.cmpi slt, %add3A_33, %lt3A : i32
    %convert_element_type3A = arith.extui %lt3A_34 : i1 to i32
    %cond3A = arith.constant 0 : i32
    %cond3A_35 = arith.cmpi ne, %convert_element_type3A, %cond3A : i32
    scf.if %cond3A_35 {
      %mul3A_94 = arith.constant 8192 : i32
      %mul3A_95 = arith.muli %add3A_33, %mul3A_94 : i32
      %dma_start3A = tpu.memref_slice %arg2[%mul3A_95] : memref<25600000xf32, #tpu.memory_space<hbm>> -> memref<8192xf32, #tpu.memory_space<hbm>>
      %dma_start3A_96 = tpu.memref_slice %arg2[%mul3A_95] : memref<25600000xf32, #tpu.memory_space<hbm>> -> memref<8192xf32, #tpu.memory_space<hbm>>
      tpu.enqueue_dma source(%dma_start3A_96 : memref<8192xf32, #tpu.memory_space<hbm>>) target(%arg6 : memref<8192xf32, #tpu.memory_space<vmem>>) target_semaphore(%arg12 : memref<!tpu.dma_semaphore, #tpu.memory_space<semaphore_mem>>)
    } else {
    }
    %add3A_36 = arith.constant 32 : i32
    %add3A_37 = arith.addi %add3A, %add3A_36 : i32
    %lt3A_38 = arith.constant 3125 : i32
    %lt3A_39 = arith.cmpi slt, %add3A_37, %lt3A_38 : i32
    %convert_element_type3A_40 = arith.extui %lt3A_39 : i1 to i32
    %cond3A_41 = arith.constant 0 : i32
    %cond3A_42 = arith.cmpi ne, %convert_element_type3A_40, %cond3A_41 : i32
    scf.if %cond3A_42 {
      %mul3A_94 = arith.constant 8192 : i32
      %mul3A_95 = arith.muli %add3A_37, %mul3A_94 : i32
      %dma_start3A = tpu.memref_slice %arg2[%mul3A_95] : memref<25600000xf32, #tpu.memory_space<hbm>> -> memref<8192xf32, #tpu.memory_space<hbm>>
      %dma_start3A_96 = tpu.memref_slice %arg2[%mul3A_95] : memref<25600000xf32, #tpu.memory_space<hbm>> -> memref<8192xf32, #tpu.memory_space<hbm>>
      tpu.enqueue_dma source(%dma_start3A_96 : memref<8192xf32, #tpu.memory_space<hbm>>) target(%arg7 : memref<8192xf32, #tpu.memory_space<vmem>>) target_semaphore(%arg13 : memref<!tpu.dma_semaphore, #tpu.memory_space<semaphore_mem>>)
    } else {
    }
    %scan3A = arith.constant 0 : i32
    %scan3A_43 = arith.constant 0 : i32
    %scan3A_44 = arith.constant 33 : i32
    %scan3A_45 = arith.addi %scan3A_43, %scan3A_44 : i32
    %scan3A_46 = arith.constant 1 : i32
    scf.for %scan3A_94 = %scan3A_43 to %scan3A_45 step %scan3A_46  : i32 {
      %mul3A_95 = arith.constant 3 : i32
      %mul3A_96 = arith.muli %scan3A_94, %mul3A_95 : i32
      %add3A_97 = arith.constant 0 : i32
      %add3A_98 = arith.addi %mul3A_96, %add3A_97 : i32
      %mul3A_99 = arith.constant 32 : i32
      %mul3A_100 = arith.muli %add3A_98, %mul3A_99 : i32
      %add3A_101 = arith.addi %add3A, %mul3A_100 : i32
      %lt3A_102 = arith.constant 3125 : i32
      %lt3A_103 = arith.cmpi slt, %add3A_101, %lt3A_102 : i32
      %convert_element_type3A_104 = arith.extui %lt3A_103 : i1 to i32
      %cond3A_105 = arith.constant 0 : i32
      %cond3A_106 = arith.cmpi ne, %convert_element_type3A_104, %cond3A_105 : i32
      scf.if %cond3A_106 {
        %mul3A_131 = arith.constant 8192 : i32
        %mul3A_132 = arith.muli %add3A_101, %mul3A_131 : i32
        %dma_wait3A = tpu.memref_slice %arg2[%mul3A_132] : memref<25600000xf32, #tpu.memory_space<hbm>> -> memref<8192xf32, #tpu.memory_space<hbm>>
        %dma_wait3A_133 = tpu.memref_slice %arg2[%mul3A_132] : memref<25600000xf32, #tpu.memory_space<hbm>> -> memref<8192xf32, #tpu.memory_space<hbm>>
        tpu.wait_dma2 semaphore(%arg12 : memref<!tpu.dma_semaphore, #tpu.memory_space<semaphore_mem>>) src(%dma_wait3A_133 : memref<8192xf32, #tpu.memory_space<hbm>>) dst(%arg6 : memref<8192xf32, #tpu.memory_space<vmem>>)
        %ge3A_134 = arith.constant 3 : i32
        %ge3A_135 = arith.cmpi sge, %add3A_98, %ge3A_134 : i32
        %convert_element_type3A_136 = arith.extui %ge3A_135 : i1 to i32
        %cond3A_137 = arith.constant 0 : i32
        %cond3A_138 = arith.cmpi ne, %convert_element_type3A_136, %cond3A_137 : i32
        scf.if %cond3A_138 {
          %mul3A_154 = arith.constant 32768 : i32
          %mul3A_155 = arith.muli %add3A_101, %mul3A_154 : i32
          %dma_wait3A_156 = tpu.memref_slice %arg4[%mul3A_155] : memref<102400000xf32, #tpu.memory_space<hbm>> -> memref<32768xf32, #tpu.memory_space<hbm>>
          %dma_wait3A_157 = tpu.memref_slice %arg4[%mul3A_155] : memref<102400000xf32, #tpu.memory_space<hbm>> -> memref<32768xf32, #tpu.memory_space<hbm>>
          tpu.wait_dma2 semaphore(%arg15 : memref<!tpu.dma_semaphore, #tpu.memory_space<semaphore_mem>>) src(%arg9 : memref<32768xf32, #tpu.memory_space<vmem>>) dst(%dma_wait3A_157 : memref<32768xf32, #tpu.memory_space<hbm>>)
        } else {
        }
        %add3A_139 = arith.constant 2 : i32
        %add3A_140 = arith.addi %add3A_98, %add3A_139 : i32
        %mul3A_141 = arith.constant 32 : i32
        %mul3A_142 = arith.muli %add3A_140, %mul3A_141 : i32
        %add3A_143 = arith.addi %add3A, %mul3A_142 : i32
        %lt3A_144 = arith.constant 3125 : i32
        %lt3A_145 = arith.cmpi slt, %add3A_143, %lt3A_144 : i32
        %convert_element_type3A_146 = arith.extui %lt3A_145 : i1 to i32
        %cond3A_147 = arith.constant 0 : i32
        %cond3A_148 = arith.cmpi ne, %convert_element_type3A_146, %cond3A_147 : i32
        scf.if %cond3A_148 {
          %mul3A_154 = arith.constant 8192 : i32
          %mul3A_155 = arith.muli %add3A_143, %mul3A_154 : i32
          %dma_start3A_156 = tpu.memref_slice %arg2[%mul3A_155] : memref<25600000xf32, #tpu.memory_space<hbm>> -> memref<8192xf32, #tpu.memory_space<hbm>>
          %dma_start3A_157 = tpu.memref_slice %arg2[%mul3A_155] : memref<25600000xf32, #tpu.memory_space<hbm>> -> memref<8192xf32, #tpu.memory_space<hbm>>
          tpu.enqueue_dma source(%dma_start3A_157 : memref<8192xf32, #tpu.memory_space<hbm>>) target(%arg8 : memref<8192xf32, #tpu.memory_space<vmem>>) target_semaphore(%arg14 : memref<!tpu.dma_semaphore, #tpu.memory_space<semaphore_mem>>)
        } else {
        }
        %parallel_loop3A = arith.constant 0 : i32
        %parallel_loop3A_149 = arith.constant 128 : i32
        %parallel_loop3A_150 = arith.constant 1 : i32
        scf.for %parallel_loop3A_154 = %parallel_loop3A to %parallel_loop3A_149 step %parallel_loop3A_150  : i32 {
          %parallel_loop3A_155 = arith.constant 16 : i32
          %parallel_loop3A_156 = arith.muli %parallel_loop3A_154, %parallel_loop3A_155 : i32
          %parallel_loop3A_157 = arith.constant 3 : i32
          %parallel_loop3A_158 = arith.shrsi %parallel_loop3A_154, %parallel_loop3A_157 : i32
          %parallel_loop3A_159 = arith.constant 896 : i32
          %parallel_loop3A_160 = arith.muli %parallel_loop3A_158, %parallel_loop3A_159 : i32
          %parallel_loop3A_161 = arith.addi %parallel_loop3A_156, %parallel_loop3A_160 : i32
          %parallel_loop3A_162 = arith.index_cast %parallel_loop3A_156 : i32 to index
          %parallel_loop3A_163 = tpu.vector_load %arg5[%parallel_loop3A_162] {strides = array<i32>} : memref<2048xi32, #tpu.memory_space<vmem>>, vector<16xi32>,
          %parallel_loop3A_164 = arith.addi %parallel_loop3A_163, %broadcast_in_dim3A_1 : vector<16xi32>
          %parallel_loop3A_165 = tpu.vector_load_idx %arg6[%parallel_loop3A_164] : memref<8192xf32, #tpu.memory_space<vmem>>[vector<16xi32>], vector<16xf32>,
          %parallel_loop3A_166 = arith.constant 0 : i32
          %parallel_loop3A_167 = arith.addi %parallel_loop3A_161, %parallel_loop3A_166 : i32
          %parallel_loop3A_168 = arith.index_cast %parallel_loop3A_167 : i32 to index
          %parallel_loop3A_169 = tpu.vector_load %arg9[%parallel_loop3A_168] {strides = array<i32>} : memref<32768xf32, #tpu.memory_space<vmem>>, vector<16xf32>,
          tpu.vector_store %arg9[%parallel_loop3A_168], %parallel_loop3A_165 {strides = array<i32>} : memref<32768xf32, #tpu.memory_space<vmem>>, vector<16xf32>,
          %parallel_loop3A_170 = arith.addi %parallel_loop3A_163, %broadcast_in_dim3A_3 : vector<16xi32>
          %parallel_loop3A_171 = tpu.vector_load_idx %arg6[%parallel_loop3A_170] : memref<8192xf32, #tpu.memory_space<vmem>>[vector<16xi32>], vector<16xf32>,
          %parallel_loop3A_172 = arith.constant 128 : i32
          %parallel_loop3A_173 = arith.addi %parallel_loop3A_161, %parallel_loop3A_172 : i32
          %parallel_loop3A_174 = arith.index_cast %parallel_loop3A_173 : i32 to index
          %parallel_loop3A_175 = tpu.vector_load %arg9[%parallel_loop3A_174] {strides = array<i32>} : memref<32768xf32, #tpu.memory_space<vmem>>, vector<16xf32>,
          tpu.vector_store %arg9[%parallel_loop3A_174], %parallel_loop3A_171 {strides = array<i32>} : memref<32768xf32, #tpu.memory_space<vmem>>, vector<16xf32>,
          %parallel_loop3A_176 = arith.addi %parallel_loop3A_163, %broadcast_in_dim3A_5 : vector<16xi32>
          %parallel_loop3A_177 = tpu.vector_load_idx %arg6[%parallel_loop3A_176] : memref<8192xf32, #tpu.memory_space<vmem>>[vector<16xi32>], vector<16xf32>,
          %parallel_loop3A_178 = arith.constant 256 : i32
          %parallel_loop3A_179 = arith.addi %parallel_loop3A_161, %parallel_loop3A_178 : i32
          %parallel_loop3A_180 = arith.index_cast %parallel_loop3A_179 : i32 to index
          %parallel_loop3A_181 = tpu.vector_load %arg9[%parallel_loop3A_180] {strides = array<i32>} : memref<32768xf32, #tpu.memory_space<vmem>>, vector<16xf32>,
          tpu.vector_store %arg9[%parallel_loop3A_180], %parallel_loop3A_177 {strides = array<i32>} : memref<32768xf32, #tpu.memory_space<vmem>>, vector<16xf32>,
          %parallel_loop3A_182 = arith.addi %parallel_loop3A_163, %broadcast_in_dim3A_7 : vector<16xi32>
          %parallel_loop3A_183 = tpu.vector_load_idx %arg6[%parallel_loop3A_182] : memref<8192xf32, #tpu.memory_space<vmem>>[vector<16xi32>], vector<16xf32>,
          %parallel_loop3A_184 = arith.constant 384 : i32
          %parallel_loop3A_185 = arith.addi %parallel_loop3A_161, %parallel_loop3A_184 : i32
          %parallel_loop3A_186 = arith.index_cast %parallel_loop3A_185 : i32 to index
          %parallel_loop3A_187 = tpu.vector_load %arg9[%parallel_loop3A_186] {strides = array<i32>} : memref<32768xf32, #tpu.memory_space<vmem>>, vector<16xf32>,
          tpu.vector_store %arg9[%parallel_loop3A_186], %parallel_loop3A_183 {strides = array<i32>} : memref<32768xf32, #tpu.memory_space<vmem>>, vector<16xf32>,
          %parallel_loop3A_188 = arith.addi %parallel_loop3A_163, %broadcast_in_dim3A_9 : vector<16xi32>
          %parallel_loop3A_189 = tpu.vector_load_idx %arg6[%parallel_loop3A_188] : memref<8192xf32, #tpu.memory_space<vmem>>[vector<16xi32>], vector<16xf32>,
          %parallel_loop3A_190 = arith.constant 512 : i32
          %parallel_loop3A_191 = arith.addi %parallel_loop3A_161, %parallel_loop3A_190 : i32
          %parallel_loop3A_192 = arith.index_cast %parallel_loop3A_191 : i32 to index
          %parallel_loop3A_193 = tpu.vector_load %arg9[%parallel_loop3A_192] {strides = array<i32>} : memref<32768xf32, #tpu.memory_space<vmem>>, vector<16xf32>,
          tpu.vector_store %arg9[%parallel_loop3A_192], %parallel_loop3A_189 {strides = array<i32>} : memref<32768xf32, #tpu.memory_space<vmem>>, vector<16xf32>,
          %parallel_loop3A_194 = arith.addi %parallel_loop3A_163, %broadcast_in_dim3A_11 : vector<16xi32>
          %parallel_loop3A_195 = tpu.vector_load_idx %arg6[%parallel_loop3A_194] : memref<8192xf32, #tpu.memory_space<vmem>>[vector<16xi32>], vector<16xf32>,
          %parallel_loop3A_196 = arith.constant 640 : i32
          %parallel_loop3A_197 = arith.addi %parallel_loop3A_161, %parallel_loop3A_196 : i32
          %parallel_loop3A_198 = arith.index_cast %parallel_loop3A_197 : i32 to index
          %parallel_loop3A_199 = tpu.vector_load %arg9[%parallel_loop3A_198] {strides = array<i32>} : memref<32768xf32, #tpu.memory_space<vmem>>, vector<16xf32>,
          tpu.vector_store %arg9[%parallel_loop3A_198], %parallel_loop3A_195 {strides = array<i32>} : memref<32768xf32, #tpu.memory_space<vmem>>, vector<16xf32>,
          %parallel_loop3A_200 = arith.addi %parallel_loop3A_163, %broadcast_in_dim3A_13 : vector<16xi32>
          %parallel_loop3A_201 = tpu.vector_load_idx %arg6[%parallel_loop3A_200] : memref<8192xf32, #tpu.memory_space<vmem>>[vector<16xi32>], vector<16xf32>,
          %parallel_loop3A_202 = arith.constant 768 : i32
          %parallel_loop3A_203 = arith.addi %parallel_loop3A_161, %parallel_loop3A_202 : i32
          %parallel_loop3A_204 = arith.index_cast %parallel_loop3A_203 : i32 to index
          %parallel_loop3A_205 = tpu.vector_load %arg9[%parallel_loop3A_204] {strides = array<i32>} : memref<32768xf32, #tpu.memory_space<vmem>>, vector<16xf32>,
          tpu.vector_store %arg9[%parallel_loop3A_204], %parallel_loop3A_201 {strides = array<i32>} : memref<32768xf32, #tpu.memory_space<vmem>>, vector<16xf32>,
          %parallel_loop3A_206 = arith.addi %parallel_loop3A_163, %broadcast_in_dim3A_15 : vector<16xi32>
          %parallel_loop3A_207 = tpu.vector_load_idx %arg6[%parallel_loop3A_206] : memref<8192xf32, #tpu.memory_space<vmem>>[vector<16xi32>], vector<16xf32>,
          %parallel_loop3A_208 = arith.constant 896 : i32
          %parallel_loop3A_209 = arith.addi %parallel_loop3A_161, %parallel_loop3A_208 : i32
          %parallel_loop3A_210 = arith.index_cast %parallel_loop3A_209 : i32 to index
          %parallel_loop3A_211 = tpu.vector_load %arg9[%parallel_loop3A_210] {strides = array<i32>} : memref<32768xf32, #tpu.memory_space<vmem>>, vector<16xf32>,
          tpu.vector_store %arg9[%parallel_loop3A_210], %parallel_loop3A_207 {strides = array<i32>} : memref<32768xf32, #tpu.memory_space<vmem>>, vector<16xf32>,
          %parallel_loop3A_212 = arith.addi %parallel_loop3A_163, %broadcast_in_dim3A_17 : vector<16xi32>
          %parallel_loop3A_213 = tpu.vector_load_idx %arg6[%parallel_loop3A_212] : memref<8192xf32, #tpu.memory_space<vmem>>[vector<16xi32>], vector<16xf32>,
          %parallel_loop3A_214 = arith.constant 16384 : i32
          %parallel_loop3A_215 = arith.addi %parallel_loop3A_161, %parallel_loop3A_214 : i32
          %parallel_loop3A_216 = arith.index_cast %parallel_loop3A_215 : i32 to index
          %parallel_loop3A_217 = tpu.vector_load %arg9[%parallel_loop3A_216] {strides = array<i32>} : memref<32768xf32, #tpu.memory_space<vmem>>, vector<16xf32>,
          tpu.vector_store %arg9[%parallel_loop3A_216], %parallel_loop3A_213 {strides = array<i32>} : memref<32768xf32, #tpu.memory_space<vmem>>, vector<16xf32>,
          %parallel_loop3A_218 = arith.addi %parallel_loop3A_163, %broadcast_in_dim3A_19 : vector<16xi32>
          %parallel_loop3A_219 = tpu.vector_load_idx %arg6[%parallel_loop3A_218] : memref<8192xf32, #tpu.memory_space<vmem>>[vector<16xi32>], vector<16xf32>,
          %parallel_loop3A_220 = arith.constant 16512 : i32
          %parallel_loop3A_221 = arith.addi %parallel_loop3A_161, %parallel_loop3A_220 : i32
          %parallel_loop3A_222 = arith.index_cast %parallel_loop3A_221 : i32 to index
          %parallel_loop3A_223 = tpu.vector_load %arg9[%parallel_loop3A_222] {strides = array<i32>} : memref<32768xf32, #tpu.memory_space<vmem>>, vector<16xf32>,
          tpu.vector_store %arg9[%parallel_loop3A_222], %parallel_loop3A_219 {strides = array<i32>} : memref<32768xf32, #tpu.memory_space<vmem>>, vector<16xf32>,
          %parallel_loop3A_224 = arith.addi %parallel_loop3A_163, %broadcast_in_dim3A_21 : vector<16xi32>
          %parallel_loop3A_225 = tpu.vector_load_idx %arg6[%parallel_loop3A_224] : memref<8192xf32, #tpu.memory_space<vmem>>[vector<16xi32>], vector<16xf32>,
          %parallel_loop3A_226 = arith.constant 16640 : i32
          %parallel_loop3A_227 = arith.addi %parallel_loop3A_161, %parallel_loop3A_226 : i32
          %parallel_loop3A_228 = arith.index_cast %parallel_loop3A_227 : i32 to index
          %parallel_loop3A_229 = tpu.vector_load %arg9[%parallel_loop3A_228] {strides = array<i32>} : memref<32768xf32, #tpu.memory_space<vmem>>, vector<16xf32>,
          tpu.vector_store %arg9[%parallel_loop3A_228], %parallel_loop3A_225 {strides = array<i32>} : memref<32768xf32, #tpu.memory_space<vmem>>, vector<16xf32>,
          %parallel_loop3A_230 = arith.addi %parallel_loop3A_163, %broadcast_in_dim3A_23 : vector<16xi32>
          %parallel_loop3A_231 = tpu.vector_load_idx %arg6[%parallel_loop3A_230] : memref<8192xf32, #tpu.memory_space<vmem>>[vector<16xi32>], vector<16xf32>,
          %parallel_loop3A_232 = arith.constant 16768 : i32
          %parallel_loop3A_233 = arith.addi %parallel_loop3A_161, %parallel_loop3A_232 : i32
          %parallel_loop3A_234 = arith.index_cast %parallel_loop3A_233 : i32 to index
          %parallel_loop3A_235 = tpu.vector_load %arg9[%parallel_loop3A_234] {strides = array<i32>} : memref<32768xf32, #tpu.memory_space<vmem>>, vector<16xf32>,
          tpu.vector_store %arg9[%parallel_loop3A_234], %parallel_loop3A_231 {strides = array<i32>} : memref<32768xf32, #tpu.memory_space<vmem>>, vector<16xf32>,
          %parallel_loop3A_236 = arith.addi %parallel_loop3A_163, %broadcast_in_dim3A_25 : vector<16xi32>
          %parallel_loop3A_237 = tpu.vector_load_idx %arg6[%parallel_loop3A_236] : memref<8192xf32, #tpu.memory_space<vmem>>[vector<16xi32>], vector<16xf32>,
          %parallel_loop3A_238 = arith.constant 16896 : i32
          %parallel_loop3A_239 = arith.addi %parallel_loop3A_161, %parallel_loop3A_238 : i32
          %parallel_loop3A_240 = arith.index_cast %parallel_loop3A_239 : i32 to index
          %parallel_loop3A_241 = tpu.vector_load %arg9[%parallel_loop3A_240] {strides = array<i32>} : memref<32768xf32, #tpu.memory_space<vmem>>, vector<16xf32>,
          tpu.vector_store %arg9[%parallel_loop3A_240], %parallel_loop3A_237 {strides = array<i32>} : memref<32768xf32, #tpu.memory_space<vmem>>, vector<16xf32>,
          %parallel_loop3A_242 = arith.addi %parallel_loop3A_163, %broadcast_in_dim3A_27 : vector<16xi32>
          %parallel_loop3A_243 = tpu.vector_load_idx %arg6[%parallel_loop3A_242] : memref<8192xf32, #tpu.memory_space<vmem>>[vector<16xi32>], vector<16xf32>,
          %parallel_loop3A_244 = arith.constant 17024 : i32
          %parallel_loop3A_245 = arith.addi %parallel_loop3A_161, %parallel_loop3A_244 : i32
          %parallel_loop3A_246 = arith.index_cast %parallel_loop3A_245 : i32 to index
          %parallel_loop3A_247 = tpu.vector_load %arg9[%parallel_loop3A_246] {strides = array<i32>} : memref<32768xf32, #tpu.memory_space<vmem>>, vector<16xf32>,
          tpu.vector_store %arg9[%parallel_loop3A_246], %parallel_loop3A_243 {strides = array<i32>} : memref<32768xf32, #tpu.memory_space<vmem>>, vector<16xf32>,
          %parallel_loop3A_248 = arith.addi %parallel_loop3A_163, %broadcast_in_dim3A_29 : vector<16xi32>
          %parallel_loop3A_249 = tpu.vector_load_idx %arg6[%parallel_loop3A_248] : memref<8192xf32, #tpu.memory_space<vmem>>[vector<16xi32>], vector<16xf32>,
          %parallel_loop3A_250 = arith.constant 17152 : i32
          %parallel_loop3A_251 = arith.addi %parallel_loop3A_161, %parallel_loop3A_250 : i32
          %parallel_loop3A_252 = arith.index_cast %parallel_loop3A_251 : i32 to index
          %parallel_loop3A_253 = tpu.vector_load %arg9[%parallel_loop3A_252] {strides = array<i32>} : memref<32768xf32, #tpu.memory_space<vmem>>, vector<16xf32>,
          tpu.vector_store %arg9[%parallel_loop3A_252], %parallel_loop3A_249 {strides = array<i32>} : memref<32768xf32, #tpu.memory_space<vmem>>, vector<16xf32>,
          %parallel_loop3A_254 = arith.addi %parallel_loop3A_163, %broadcast_in_dim3A_31 : vector<16xi32>
          %parallel_loop3A_255 = tpu.vector_load_idx %arg6[%parallel_loop3A_254] : memref<8192xf32, #tpu.memory_space<vmem>>[vector<16xi32>], vector<16xf32>,
          %parallel_loop3A_256 = arith.constant 17280 : i32
          %parallel_loop3A_257 = arith.addi %parallel_loop3A_161, %parallel_loop3A_256 : i32
          %parallel_loop3A_258 = arith.index_cast %parallel_loop3A_257 : i32 to index
          %parallel_loop3A_259 = tpu.vector_load %arg9[%parallel_loop3A_258] {strides = array<i32>} : memref<32768xf32, #tpu.memory_space<vmem>>, vector<16xf32>,
          tpu.vector_store %arg9[%parallel_loop3A_258], %parallel_loop3A_255 {strides = array<i32>} : memref<32768xf32, #tpu.memory_space<vmem>>, vector<16xf32>,
        } {sc.loop_unroll_factor = 2 : i64, sc.parallel_access}
        %mul3A_151 = arith.constant 32768 : i32
        %mul3A_152 = arith.muli %add3A_101, %mul3A_151 : i32
        %dma_start3A = tpu.memref_slice %arg4[%mul3A_152] : memref<102400000xf32, #tpu.memory_space<hbm>> -> memref<32768xf32, #tpu.memory_space<hbm>>
        %dma_start3A_153 = tpu.memref_slice %arg4[%mul3A_152] : memref<102400000xf32, #tpu.memory_space<hbm>> -> memref<32768xf32, #tpu.memory_space<hbm>>
        tpu.enqueue_dma source(%arg9 : memref<32768xf32, #tpu.memory_space<vmem>>) target(%dma_start3A_153 : memref<32768xf32, #tpu.memory_space<hbm>>) target_semaphore(%arg15 : memref<!tpu.dma_semaphore, #tpu.memory_space<semaphore_mem>>)
      } else {
      }
      %mul3A_107 = arith.constant 3 : i32
      %mul3A_108 = arith.muli %scan3A_94, %mul3A_107 : i32
      %add3A_109 = arith.constant 1 : i32
      %add3A_110 = arith.addi %mul3A_108, %add3A_109 : i32
      %mul3A_111 = arith.constant 32 : i32
      %mul3A_112 = arith.muli %add3A_110, %mul3A_111 : i32
      %add3A_113 = arith.addi %add3A, %mul3A_112 : i32
      %lt3A_114 = arith.constant 3125 : i32
      %lt3A_115 = arith.cmpi slt, %add3A_113, %lt3A_114 : i32
      %convert_element_type3A_116 = arith.extui %lt3A_115 : i1 to i32
      %cond3A_117 = arith.constant 0 : i32
      %cond3A_118 = arith.cmpi ne, %convert_element_type3A_116, %cond3A_117 : i32
      scf.if %cond3A_118 {
        %mul3A_131 = arith.constant 8192 : i32
        %mul3A_132 = arith.muli %add3A_113, %mul3A_131 : i32
        %dma_wait3A = tpu.memref_slice %arg2[%mul3A_132] : memref<25600000xf32, #tpu.memory_space<hbm>> -> memref<8192xf32, #tpu.memory_space<hbm>>
        %dma_wait3A_133 = tpu.memref_slice %arg2[%mul3A_132] : memref<25600000xf32, #tpu.memory_space<hbm>> -> memref<8192xf32, #tpu.memory_space<hbm>>
        tpu.wait_dma2 semaphore(%arg13 : memref<!tpu.dma_semaphore, #tpu.memory_space<semaphore_mem>>) src(%dma_wait3A_133 : memref<8192xf32, #tpu.memory_space<hbm>>) dst(%arg7 : memref<8192xf32, #tpu.memory_space<vmem>>)
        %ge3A_134 = arith.constant 3 : i32
        %ge3A_135 = arith.cmpi sge, %add3A_110, %ge3A_134 : i32
        %convert_element_type3A_136 = arith.extui %ge3A_135 : i1 to i32
        %cond3A_137 = arith.constant 0 : i32
        %cond3A_138 = arith.cmpi ne, %convert_element_type3A_136, %cond3A_137 : i32
        scf.if %cond3A_138 {
          %mul3A_154 = arith.constant 32768 : i32
          %mul3A_155 = arith.muli %add3A_113, %mul3A_154 : i32
          %dma_wait3A_156 = tpu.memref_slice %arg4[%mul3A_155] : memref<102400000xf32, #tpu.memory_space<hbm>> -> memref<32768xf32, #tpu.memory_space<hbm>>
          %dma_wait3A_157 = tpu.memref_slice %arg4[%mul3A_155] : memref<102400000xf32, #tpu.memory_space<hbm>> -> memref<32768xf32, #tpu.memory_space<hbm>>
          tpu.wait_dma2 semaphore(%arg16 : memref<!tpu.dma_semaphore, #tpu.memory_space<semaphore_mem>>) src(%arg10 : memref<32768xf32, #tpu.memory_space<vmem>>) dst(%dma_wait3A_157 : memref<32768xf32, #tpu.memory_space<hbm>>)
        } else {
        }
        %add3A_139 = arith.constant 2 : i32
        %add3A_140 = arith.addi %add3A_110, %add3A_139 : i32
        %mul3A_141 = arith.constant 32 : i32
        %mul3A_142 = arith.muli %add3A_140, %mul3A_141 : i32
        %add3A_143 = arith.addi %add3A, %mul3A_142 : i32
        %lt3A_144 = arith.constant 3125 : i32
        %lt3A_145 = arith.cmpi slt, %add3A_143, %lt3A_144 : i32
        %convert_element_type3A_146 = arith.extui %lt3A_145 : i1 to i32
        %cond3A_147 = arith.constant 0 : i32
        %cond3A_148 = arith.cmpi ne, %convert_element_type3A_146, %cond3A_147 : i32
        scf.if %cond3A_148 {
          %mul3A_154 = arith.constant 8192 : i32
          %mul3A_155 = arith.muli %add3A_143, %mul3A_154 : i32
          %dma_start3A_156 = tpu.memref_slice %arg2[%mul3A_155] : memref<25600000xf32, #tpu.memory_space<hbm>> -> memref<8192xf32, #tpu.memory_space<hbm>>
          %dma_start3A_157 = tpu.memref_slice %arg2[%mul3A_155] : memref<25600000xf32, #tpu.memory_space<hbm>> -> memref<8192xf32, #tpu.memory_space<hbm>>
          tpu.enqueue_dma source(%dma_start3A_157 : memref<8192xf32, #tpu.memory_space<hbm>>) target(%arg6 : memref<8192xf32, #tpu.memory_space<vmem>>) target_semaphore(%arg12 : memref<!tpu.dma_semaphore, #tpu.memory_space<semaphore_mem>>)
        } else {
        }
        %parallel_loop3A = arith.constant 0 : i32
        %parallel_loop3A_149 = arith.constant 128 : i32
        %parallel_loop3A_150 = arith.constant 1 : i32
        scf.for %parallel_loop3A_154 = %parallel_loop3A to %parallel_loop3A_149 step %parallel_loop3A_150  : i32 {
          %parallel_loop3A_155 = arith.constant 16 : i32
          %parallel_loop3A_156 = arith.muli %parallel_loop3A_154, %parallel_loop3A_155 : i32
          %parallel_loop3A_157 = arith.constant 3 : i32
          %parallel_loop3A_158 = arith.shrsi %parallel_loop3A_154, %parallel_loop3A_157 : i32
          %parallel_loop3A_159 = arith.constant 896 : i32
          %parallel_loop3A_160 = arith.muli %parallel_loop3A_158, %parallel_loop3A_159 : i32
          %parallel_loop3A_161 = arith.addi %parallel_loop3A_156, %parallel_loop3A_160 : i32
          %parallel_loop3A_162 = arith.index_cast %parallel_loop3A_156 : i32 to index
          %parallel_loop3A_163 = tpu.vector_load %arg5[%parallel_loop3A_162] {strides = array<i32>} : memref<2048xi32, #tpu.memory_space<vmem>>, vector<16xi32>,
          %parallel_loop3A_164 = arith.addi %parallel_loop3A_163, %broadcast_in_dim3A_1 : vector<16xi32>
          %parallel_loop3A_165 = tpu.vector_load_idx %arg7[%parallel_loop3A_164] : memref<8192xf32, #tpu.memory_space<vmem>>[vector<16xi32>], vector<16xf32>,
          %parallel_loop3A_166 = arith.constant 0 : i32
          %parallel_loop3A_167 = arith.addi %parallel_loop3A_161, %parallel_loop3A_166 : i32
          %parallel_loop3A_168 = arith.index_cast %parallel_loop3A_167 : i32 to index
          %parallel_loop3A_169 = tpu.vector_load %arg10[%parallel_loop3A_168] {strides = array<i32>} : memref<32768xf32, #tpu.memory_space<vmem>>, vector<16xf32>,
          tpu.vector_store %arg10[%parallel_loop3A_168], %parallel_loop3A_165 {strides = array<i32>} : memref<32768xf32, #tpu.memory_space<vmem>>, vector<16xf32>,
          %parallel_loop3A_170 = arith.addi %parallel_loop3A_163, %broadcast_in_dim3A_3 : vector<16xi32>
          %parallel_loop3A_171 = tpu.vector_load_idx %arg7[%parallel_loop3A_170] : memref<8192xf32, #tpu.memory_space<vmem>>[vector<16xi32>], vector<16xf32>,
          %parallel_loop3A_172 = arith.constant 128 : i32
          %parallel_loop3A_173 = arith.addi %parallel_loop3A_161, %parallel_loop3A_172 : i32
          %parallel_loop3A_174 = arith.index_cast %parallel_loop3A_173 : i32 to index
          %parallel_loop3A_175 = tpu.vector_load %arg10[%parallel_loop3A_174] {strides = array<i32>} : memref<32768xf32, #tpu.memory_space<vmem>>, vector<16xf32>,
          tpu.vector_store %arg10[%parallel_loop3A_174], %parallel_loop3A_171 {strides = array<i32>} : memref<32768xf32, #tpu.memory_space<vmem>>, vector<16xf32>,
          %parallel_loop3A_176 = arith.addi %parallel_loop3A_163, %broadcast_in_dim3A_5 : vector<16xi32>
          %parallel_loop3A_177 = tpu.vector_load_idx %arg7[%parallel_loop3A_176] : memref<8192xf32, #tpu.memory_space<vmem>>[vector<16xi32>], vector<16xf32>,
          %parallel_loop3A_178 = arith.constant 256 : i32
          %parallel_loop3A_179 = arith.addi %parallel_loop3A_161, %parallel_loop3A_178 : i32
          %parallel_loop3A_180 = arith.index_cast %parallel_loop3A_179 : i32 to index
          %parallel_loop3A_181 = tpu.vector_load %arg10[%parallel_loop3A_180] {strides = array<i32>} : memref<32768xf32, #tpu.memory_space<vmem>>, vector<16xf32>,
          tpu.vector_store %arg10[%parallel_loop3A_180], %parallel_loop3A_177 {strides = array<i32>} : memref<32768xf32, #tpu.memory_space<vmem>>, vector<16xf32>,
          %parallel_loop3A_182 = arith.addi %parallel_loop3A_163, %broadcast_in_dim3A_7 : vector<16xi32>
          %parallel_loop3A_183 = tpu.vector_load_idx %arg7[%parallel_loop3A_182] : memref<8192xf32, #tpu.memory_space<vmem>>[vector<16xi32>], vector<16xf32>,
          %parallel_loop3A_184 = arith.constant 384 : i32
          %parallel_loop3A_185 = arith.addi %parallel_loop3A_161, %parallel_loop3A_184 : i32
          %parallel_loop3A_186 = arith.index_cast %parallel_loop3A_185 : i32 to index
          %parallel_loop3A_187 = tpu.vector_load %arg10[%parallel_loop3A_186] {strides = array<i32>} : memref<32768xf32, #tpu.memory_space<vmem>>, vector<16xf32>,
          tpu.vector_store %arg10[%parallel_loop3A_186], %parallel_loop3A_183 {strides = array<i32>} : memref<32768xf32, #tpu.memory_space<vmem>>, vector<16xf32>,
          %parallel_loop3A_188 = arith.addi %parallel_loop3A_163, %broadcast_in_dim3A_9 : vector<16xi32>
          %parallel_loop3A_189 = tpu.vector_load_idx %arg7[%parallel_loop3A_188] : memref<8192xf32, #tpu.memory_space<vmem>>[vector<16xi32>], vector<16xf32>,
          %parallel_loop3A_190 = arith.constant 512 : i32
          %parallel_loop3A_191 = arith.addi %parallel_loop3A_161, %parallel_loop3A_190 : i32
          %parallel_loop3A_192 = arith.index_cast %parallel_loop3A_191 : i32 to index
          %parallel_loop3A_193 = tpu.vector_load %arg10[%parallel_loop3A_192] {strides = array<i32>} : memref<32768xf32, #tpu.memory_space<vmem>>, vector<16xf32>,
          tpu.vector_store %arg10[%parallel_loop3A_192], %parallel_loop3A_189 {strides = array<i32>} : memref<32768xf32, #tpu.memory_space<vmem>>, vector<16xf32>,
          %parallel_loop3A_194 = arith.addi %parallel_loop3A_163, %broadcast_in_dim3A_11 : vector<16xi32>
          %parallel_loop3A_195 = tpu.vector_load_idx %arg7[%parallel_loop3A_194] : memref<8192xf32, #tpu.memory_space<vmem>>[vector<16xi32>], vector<16xf32>,
          %parallel_loop3A_196 = arith.constant 640 : i32
          %parallel_loop3A_197 = arith.addi %parallel_loop3A_161, %parallel_loop3A_196 : i32
          %parallel_loop3A_198 = arith.index_cast %parallel_loop3A_197 : i32 to index
          %parallel_loop3A_199 = tpu.vector_load %arg10[%parallel_loop3A_198] {strides = array<i32>} : memref<32768xf32, #tpu.memory_space<vmem>>, vector<16xf32>,
          tpu.vector_store %arg10[%parallel_loop3A_198], %parallel_loop3A_195 {strides = array<i32>} : memref<32768xf32, #tpu.memory_space<vmem>>, vector<16xf32>,
          %parallel_loop3A_200 = arith.addi %parallel_loop3A_163, %broadcast_in_dim3A_13 : vector<16xi32>
          %parallel_loop3A_201 = tpu.vector_load_idx %arg7[%parallel_loop3A_200] : memref<8192xf32, #tpu.memory_space<vmem>>[vector<16xi32>], vector<16xf32>,
          %parallel_loop3A_202 = arith.constant 768 : i32
          %parallel_loop3A_203 = arith.addi %parallel_loop3A_161, %parallel_loop3A_202 : i32
          %parallel_loop3A_204 = arith.index_cast %parallel_loop3A_203 : i32 to index
          %parallel_loop3A_205 = tpu.vector_load %arg10[%parallel_loop3A_204] {strides = array<i32>} : memref<32768xf32, #tpu.memory_space<vmem>>, vector<16xf32>,
          tpu.vector_store %arg10[%parallel_loop3A_204], %parallel_loop3A_201 {strides = array<i32>} : memref<32768xf32, #tpu.memory_space<vmem>>, vector<16xf32>,
          %parallel_loop3A_206 = arith.addi %parallel_loop3A_163, %broadcast_in_dim3A_15 : vector<16xi32>
          %parallel_loop3A_207 = tpu.vector_load_idx %arg7[%parallel_loop3A_206] : memref<8192xf32, #tpu.memory_space<vmem>>[vector<16xi32>], vector<16xf32>,
          %parallel_loop3A_208 = arith.constant 896 : i32
          %parallel_loop3A_209 = arith.addi %parallel_loop3A_161, %parallel_loop3A_208 : i32
          %parallel_loop3A_210 = arith.index_cast %parallel_loop3A_209 : i32 to index
          %parallel_loop3A_211 = tpu.vector_load %arg10[%parallel_loop3A_210] {strides = array<i32>} : memref<32768xf32, #tpu.memory_space<vmem>>, vector<16xf32>,
          tpu.vector_store %arg10[%parallel_loop3A_210], %parallel_loop3A_207 {strides = array<i32>} : memref<32768xf32, #tpu.memory_space<vmem>>, vector<16xf32>,
          %parallel_loop3A_212 = arith.addi %parallel_loop3A_163, %broadcast_in_dim3A_17 : vector<16xi32>
          %parallel_loop3A_213 = tpu.vector_load_idx %arg7[%parallel_loop3A_212] : memref<8192xf32, #tpu.memory_space<vmem>>[vector<16xi32>], vector<16xf32>,
          %parallel_loop3A_214 = arith.constant 16384 : i32
          %parallel_loop3A_215 = arith.addi %parallel_loop3A_161, %parallel_loop3A_214 : i32
          %parallel_loop3A_216 = arith.index_cast %parallel_loop3A_215 : i32 to index
          %parallel_loop3A_217 = tpu.vector_load %arg10[%parallel_loop3A_216] {strides = array<i32>} : memref<32768xf32, #tpu.memory_space<vmem>>, vector<16xf32>,
          tpu.vector_store %arg10[%parallel_loop3A_216], %parallel_loop3A_213 {strides = array<i32>} : memref<32768xf32, #tpu.memory_space<vmem>>, vector<16xf32>,
          %parallel_loop3A_218 = arith.addi %parallel_loop3A_163, %broadcast_in_dim3A_19 : vector<16xi32>
          %parallel_loop3A_219 = tpu.vector_load_idx %arg7[%parallel_loop3A_218] : memref<8192xf32, #tpu.memory_space<vmem>>[vector<16xi32>], vector<16xf32>,
          %parallel_loop3A_220 = arith.constant 16512 : i32
          %parallel_loop3A_221 = arith.addi %parallel_loop3A_161, %parallel_loop3A_220 : i32
          %parallel_loop3A_222 = arith.index_cast %parallel_loop3A_221 : i32 to index
          %parallel_loop3A_223 = tpu.vector_load %arg10[%parallel_loop3A_222] {strides = array<i32>} : memref<32768xf32, #tpu.memory_space<vmem>>, vector<16xf32>,
          tpu.vector_store %arg10[%parallel_loop3A_222], %parallel_loop3A_219 {strides = array<i32>} : memref<32768xf32, #tpu.memory_space<vmem>>, vector<16xf32>,
          %parallel_loop3A_224 = arith.addi %parallel_loop3A_163, %broadcast_in_dim3A_21 : vector<16xi32>
          %parallel_loop3A_225 = tpu.vector_load_idx %arg7[%parallel_loop3A_224] : memref<8192xf32, #tpu.memory_space<vmem>>[vector<16xi32>], vector<16xf32>,
          %parallel_loop3A_226 = arith.constant 16640 : i32
          %parallel_loop3A_227 = arith.addi %parallel_loop3A_161, %parallel_loop3A_226 : i32
          %parallel_loop3A_228 = arith.index_cast %parallel_loop3A_227 : i32 to index
          %parallel_loop3A_229 = tpu.vector_load %arg10[%parallel_loop3A_228] {strides = array<i32>} : memref<32768xf32, #tpu.memory_space<vmem>>, vector<16xf32>,
          tpu.vector_store %arg10[%parallel_loop3A_228], %parallel_loop3A_225 {strides = array<i32>} : memref<32768xf32, #tpu.memory_space<vmem>>, vector<16xf32>,
          %parallel_loop3A_230 = arith.addi %parallel_loop3A_163, %broadcast_in_dim3A_23 : vector<16xi32>
          %parallel_loop3A_231 = tpu.vector_load_idx %arg7[%parallel_loop3A_230] : memref<8192xf32, #tpu.memory_space<vmem>>[vector<16xi32>], vector<16xf32>,
          %parallel_loop3A_232 = arith.constant 16768 : i32
          %parallel_loop3A_233 = arith.addi %parallel_loop3A_161, %parallel_loop3A_232 : i32
          %parallel_loop3A_234 = arith.index_cast %parallel_loop3A_233 : i32 to index
          %parallel_loop3A_235 = tpu.vector_load %arg10[%parallel_loop3A_234] {strides = array<i32>} : memref<32768xf32, #tpu.memory_space<vmem>>, vector<16xf32>,
          tpu.vector_store %arg10[%parallel_loop3A_234], %parallel_loop3A_231 {strides = array<i32>} : memref<32768xf32, #tpu.memory_space<vmem>>, vector<16xf32>,
          %parallel_loop3A_236 = arith.addi %parallel_loop3A_163, %broadcast_in_dim3A_25 : vector<16xi32>
          %parallel_loop3A_237 = tpu.vector_load_idx %arg7[%parallel_loop3A_236] : memref<8192xf32, #tpu.memory_space<vmem>>[vector<16xi32>], vector<16xf32>,
          %parallel_loop3A_238 = arith.constant 16896 : i32
          %parallel_loop3A_239 = arith.addi %parallel_loop3A_161, %parallel_loop3A_238 : i32
          %parallel_loop3A_240 = arith.index_cast %parallel_loop3A_239 : i32 to index
          %parallel_loop3A_241 = tpu.vector_load %arg10[%parallel_loop3A_240] {strides = array<i32>} : memref<32768xf32, #tpu.memory_space<vmem>>, vector<16xf32>,
          tpu.vector_store %arg10[%parallel_loop3A_240], %parallel_loop3A_237 {strides = array<i32>} : memref<32768xf32, #tpu.memory_space<vmem>>, vector<16xf32>,
          %parallel_loop3A_242 = arith.addi %parallel_loop3A_163, %broadcast_in_dim3A_27 : vector<16xi32>
          %parallel_loop3A_243 = tpu.vector_load_idx %arg7[%parallel_loop3A_242] : memref<8192xf32, #tpu.memory_space<vmem>>[vector<16xi32>], vector<16xf32>,
          %parallel_loop3A_244 = arith.constant 17024 : i32
          %parallel_loop3A_245 = arith.addi %parallel_loop3A_161, %parallel_loop3A_244 : i32
          %parallel_loop3A_246 = arith.index_cast %parallel_loop3A_245 : i32 to index
          %parallel_loop3A_247 = tpu.vector_load %arg10[%parallel_loop3A_246] {strides = array<i32>} : memref<32768xf32, #tpu.memory_space<vmem>>, vector<16xf32>,
          tpu.vector_store %arg10[%parallel_loop3A_246], %parallel_loop3A_243 {strides = array<i32>} : memref<32768xf32, #tpu.memory_space<vmem>>, vector<16xf32>,
          %parallel_loop3A_248 = arith.addi %parallel_loop3A_163, %broadcast_in_dim3A_29 : vector<16xi32>
          %parallel_loop3A_249 = tpu.vector_load_idx %arg7[%parallel_loop3A_248] : memref<8192xf32, #tpu.memory_space<vmem>>[vector<16xi32>], vector<16xf32>,
          %parallel_loop3A_250 = arith.constant 17152 : i32
          %parallel_loop3A_251 = arith.addi %parallel_loop3A_161, %parallel_loop3A_250 : i32
          %parallel_loop3A_252 = arith.index_cast %parallel_loop3A_251 : i32 to index
          %parallel_loop3A_253 = tpu.vector_load %arg10[%parallel_loop3A_252] {strides = array<i32>} : memref<32768xf32, #tpu.memory_space<vmem>>, vector<16xf32>,
          tpu.vector_store %arg10[%parallel_loop3A_252], %parallel_loop3A_249 {strides = array<i32>} : memref<32768xf32, #tpu.memory_space<vmem>>, vector<16xf32>,
          %parallel_loop3A_254 = arith.addi %parallel_loop3A_163, %broadcast_in_dim3A_31 : vector<16xi32>
          %parallel_loop3A_255 = tpu.vector_load_idx %arg7[%parallel_loop3A_254] : memref<8192xf32, #tpu.memory_space<vmem>>[vector<16xi32>], vector<16xf32>,
          %parallel_loop3A_256 = arith.constant 17280 : i32
          %parallel_loop3A_257 = arith.addi %parallel_loop3A_161, %parallel_loop3A_256 : i32
          %parallel_loop3A_258 = arith.index_cast %parallel_loop3A_257 : i32 to index
          %parallel_loop3A_259 = tpu.vector_load %arg10[%parallel_loop3A_258] {strides = array<i32>} : memref<32768xf32, #tpu.memory_space<vmem>>, vector<16xf32>,
          tpu.vector_store %arg10[%parallel_loop3A_258], %parallel_loop3A_255 {strides = array<i32>} : memref<32768xf32, #tpu.memory_space<vmem>>, vector<16xf32>,
        } {sc.loop_unroll_factor = 2 : i64, sc.parallel_access}
        %mul3A_151 = arith.constant 32768 : i32
        %mul3A_152 = arith.muli %add3A_113, %mul3A_151 : i32
        %dma_start3A = tpu.memref_slice %arg4[%mul3A_152] : memref<102400000xf32, #tpu.memory_space<hbm>> -> memref<32768xf32, #tpu.memory_space<hbm>>
        %dma_start3A_153 = tpu.memref_slice %arg4[%mul3A_152] : memref<102400000xf32, #tpu.memory_space<hbm>> -> memref<32768xf32, #tpu.memory_space<hbm>>
        tpu.enqueue_dma source(%arg10 : memref<32768xf32, #tpu.memory_space<vmem>>) target(%dma_start3A_153 : memref<32768xf32, #tpu.memory_space<hbm>>) target_semaphore(%arg16 : memref<!tpu.dma_semaphore, #tpu.memory_space<semaphore_mem>>)
      } else {
      }
      %mul3A_119 = arith.constant 3 : i32
      %mul3A_120 = arith.muli %scan3A_94, %mul3A_119 : i32
      %add3A_121 = arith.constant 2 : i32
      %add3A_122 = arith.addi %mul3A_120, %add3A_121 : i32
      %mul3A_123 = arith.constant 32 : i32
      %mul3A_124 = arith.muli %add3A_122, %mul3A_123 : i32
      %add3A_125 = arith.addi %add3A, %mul3A_124 : i32
      %lt3A_126 = arith.constant 3125 : i32
      %lt3A_127 = arith.cmpi slt, %add3A_125, %lt3A_126 : i32
      %convert_element_type3A_128 = arith.extui %lt3A_127 : i1 to i32
      %cond3A_129 = arith.constant 0 : i32
      %cond3A_130 = arith.cmpi ne, %convert_element_type3A_128, %cond3A_129 : i32
      scf.if %cond3A_130 {
        %mul3A_131 = arith.constant 8192 : i32
        %mul3A_132 = arith.muli %add3A_125, %mul3A_131 : i32
        %dma_wait3A = tpu.memref_slice %arg2[%mul3A_132] : memref<25600000xf32, #tpu.memory_space<hbm>> -> memref<8192xf32, #tpu.memory_space<hbm>>
        %dma_wait3A_133 = tpu.memref_slice %arg2[%mul3A_132] : memref<25600000xf32, #tpu.memory_space<hbm>> -> memref<8192xf32, #tpu.memory_space<hbm>>
        tpu.wait_dma2 semaphore(%arg14 : memref<!tpu.dma_semaphore, #tpu.memory_space<semaphore_mem>>) src(%dma_wait3A_133 : memref<8192xf32, #tpu.memory_space<hbm>>) dst(%arg8 : memref<8192xf32, #tpu.memory_space<vmem>>)
        %ge3A_134 = arith.constant 3 : i32
        %ge3A_135 = arith.cmpi sge, %add3A_122, %ge3A_134 : i32
        %convert_element_type3A_136 = arith.extui %ge3A_135 : i1 to i32
        %cond3A_137 = arith.constant 0 : i32
        %cond3A_138 = arith.cmpi ne, %convert_element_type3A_136, %cond3A_137 : i32
        scf.if %cond3A_138 {
          %mul3A_154 = arith.constant 32768 : i32
          %mul3A_155 = arith.muli %add3A_125, %mul3A_154 : i32
          %dma_wait3A_156 = tpu.memref_slice %arg4[%mul3A_155] : memref<102400000xf32, #tpu.memory_space<hbm>> -> memref<32768xf32, #tpu.memory_space<hbm>>
          %dma_wait3A_157 = tpu.memref_slice %arg4[%mul3A_155] : memref<102400000xf32, #tpu.memory_space<hbm>> -> memref<32768xf32, #tpu.memory_space<hbm>>
          tpu.wait_dma2 semaphore(%arg17 : memref<!tpu.dma_semaphore, #tpu.memory_space<semaphore_mem>>) src(%arg11 : memref<32768xf32, #tpu.memory_space<vmem>>) dst(%dma_wait3A_157 : memref<32768xf32, #tpu.memory_space<hbm>>)
        } else {
        }
        %add3A_139 = arith.constant 2 : i32
        %add3A_140 = arith.addi %add3A_122, %add3A_139 : i32
        %mul3A_141 = arith.constant 32 : i32
        %mul3A_142 = arith.muli %add3A_140, %mul3A_141 : i32
        %add3A_143 = arith.addi %add3A, %mul3A_142 : i32
        %lt3A_144 = arith.constant 3125 : i32
        %lt3A_145 = arith.cmpi slt, %add3A_143, %lt3A_144 : i32
        %convert_element_type3A_146 = arith.extui %lt3A_145 : i1 to i32
        %cond3A_147 = arith.constant 0 : i32
        %cond3A_148 = arith.cmpi ne, %convert_element_type3A_146, %cond3A_147 : i32
        scf.if %cond3A_148 {
          %mul3A_154 = arith.constant 8192 : i32
          %mul3A_155 = arith.muli %add3A_143, %mul3A_154 : i32
          %dma_start3A_156 = tpu.memref_slice %arg2[%mul3A_155] : memref<25600000xf32, #tpu.memory_space<hbm>> -> memref<8192xf32, #tpu.memory_space<hbm>>
          %dma_start3A_157 = tpu.memref_slice %arg2[%mul3A_155] : memref<25600000xf32, #tpu.memory_space<hbm>> -> memref<8192xf32, #tpu.memory_space<hbm>>
          tpu.enqueue_dma source(%dma_start3A_157 : memref<8192xf32, #tpu.memory_space<hbm>>) target(%arg7 : memref<8192xf32, #tpu.memory_space<vmem>>) target_semaphore(%arg13 : memref<!tpu.dma_semaphore, #tpu.memory_space<semaphore_mem>>)
        } else {
        }
        %parallel_loop3A = arith.constant 0 : i32
        %parallel_loop3A_149 = arith.constant 128 : i32
        %parallel_loop3A_150 = arith.constant 1 : i32
        scf.for %parallel_loop3A_154 = %parallel_loop3A to %parallel_loop3A_149 step %parallel_loop3A_150  : i32 {
          %parallel_loop3A_155 = arith.constant 16 : i32
          %parallel_loop3A_156 = arith.muli %parallel_loop3A_154, %parallel_loop3A_155 : i32
          %parallel_loop3A_157 = arith.constant 3 : i32
          %parallel_loop3A_158 = arith.shrsi %parallel_loop3A_154, %parallel_loop3A_157 : i32
          %parallel_loop3A_159 = arith.constant 896 : i32
          %parallel_loop3A_160 = arith.muli %parallel_loop3A_158, %parallel_loop3A_159 : i32
          %parallel_loop3A_161 = arith.addi %parallel_loop3A_156, %parallel_loop3A_160 : i32
          %parallel_loop3A_162 = arith.index_cast %parallel_loop3A_156 : i32 to index
          %parallel_loop3A_163 = tpu.vector_load %arg5[%parallel_loop3A_162] {strides = array<i32>} : memref<2048xi32, #tpu.memory_space<vmem>>, vector<16xi32>,
          %parallel_loop3A_164 = arith.addi %parallel_loop3A_163, %broadcast_in_dim3A_1 : vector<16xi32>
          %parallel_loop3A_165 = tpu.vector_load_idx %arg8[%parallel_loop3A_164] : memref<8192xf32, #tpu.memory_space<vmem>>[vector<16xi32>], vector<16xf32>,
          %parallel_loop3A_166 = arith.constant 0 : i32
          %parallel_loop3A_167 = arith.addi %parallel_loop3A_161, %parallel_loop3A_166 : i32
          %parallel_loop3A_168 = arith.index_cast %parallel_loop3A_167 : i32 to index
          %parallel_loop3A_169 = tpu.vector_load %arg11[%parallel_loop3A_168] {strides = array<i32>} : memref<32768xf32, #tpu.memory_space<vmem>>, vector<16xf32>,
          tpu.vector_store %arg11[%parallel_loop3A_168], %parallel_loop3A_165 {strides = array<i32>} : memref<32768xf32, #tpu.memory_space<vmem>>, vector<16xf32>,
          %parallel_loop3A_170 = arith.addi %parallel_loop3A_163, %broadcast_in_dim3A_3 : vector<16xi32>
          %parallel_loop3A_171 = tpu.vector_load_idx %arg8[%parallel_loop3A_170] : memref<8192xf32, #tpu.memory_space<vmem>>[vector<16xi32>], vector<16xf32>,
          %parallel_loop3A_172 = arith.constant 128 : i32
          %parallel_loop3A_173 = arith.addi %parallel_loop3A_161, %parallel_loop3A_172 : i32
          %parallel_loop3A_174 = arith.index_cast %parallel_loop3A_173 : i32 to index
          %parallel_loop3A_175 = tpu.vector_load %arg11[%parallel_loop3A_174] {strides = array<i32>} : memref<32768xf32, #tpu.memory_space<vmem>>, vector<16xf32>,
          tpu.vector_store %arg11[%parallel_loop3A_174], %parallel_loop3A_171 {strides = array<i32>} : memref<32768xf32, #tpu.memory_space<vmem>>, vector<16xf32>,
          %parallel_loop3A_176 = arith.addi %parallel_loop3A_163, %broadcast_in_dim3A_5 : vector<16xi32>
          %parallel_loop3A_177 = tpu.vector_load_idx %arg8[%parallel_loop3A_176] : memref<8192xf32, #tpu.memory_space<vmem>>[vector<16xi32>], vector<16xf32>,
          %parallel_loop3A_178 = arith.constant 256 : i32
          %parallel_loop3A_179 = arith.addi %parallel_loop3A_161, %parallel_loop3A_178 : i32
          %parallel_loop3A_180 = arith.index_cast %parallel_loop3A_179 : i32 to index
          %parallel_loop3A_181 = tpu.vector_load %arg11[%parallel_loop3A_180] {strides = array<i32>} : memref<32768xf32, #tpu.memory_space<vmem>>, vector<16xf32>,
          tpu.vector_store %arg11[%parallel_loop3A_180], %parallel_loop3A_177 {strides = array<i32>} : memref<32768xf32, #tpu.memory_space<vmem>>, vector<16xf32>,
          %parallel_loop3A_182 = arith.addi %parallel_loop3A_163, %broadcast_in_dim3A_7 : vector<16xi32>
          %parallel_loop3A_183 = tpu.vector_load_idx %arg8[%parallel_loop3A_182] : memref<8192xf32, #tpu.memory_space<vmem>>[vector<16xi32>], vector<16xf32>,
          %parallel_loop3A_184 = arith.constant 384 : i32
          %parallel_loop3A_185 = arith.addi %parallel_loop3A_161, %parallel_loop3A_184 : i32
          %parallel_loop3A_186 = arith.index_cast %parallel_loop3A_185 : i32 to index
          %parallel_loop3A_187 = tpu.vector_load %arg11[%parallel_loop3A_186] {strides = array<i32>} : memref<32768xf32, #tpu.memory_space<vmem>>, vector<16xf32>,
          tpu.vector_store %arg11[%parallel_loop3A_186], %parallel_loop3A_183 {strides = array<i32>} : memref<32768xf32, #tpu.memory_space<vmem>>, vector<16xf32>,
          %parallel_loop3A_188 = arith.addi %parallel_loop3A_163, %broadcast_in_dim3A_9 : vector<16xi32>
          %parallel_loop3A_189 = tpu.vector_load_idx %arg8[%parallel_loop3A_188] : memref<8192xf32, #tpu.memory_space<vmem>>[vector<16xi32>], vector<16xf32>,
          %parallel_loop3A_190 = arith.constant 512 : i32
          %parallel_loop3A_191 = arith.addi %parallel_loop3A_161, %parallel_loop3A_190 : i32
          %parallel_loop3A_192 = arith.index_cast %parallel_loop3A_191 : i32 to index
          %parallel_loop3A_193 = tpu.vector_load %arg11[%parallel_loop3A_192] {strides = array<i32>} : memref<32768xf32, #tpu.memory_space<vmem>>, vector<16xf32>,
          tpu.vector_store %arg11[%parallel_loop3A_192], %parallel_loop3A_189 {strides = array<i32>} : memref<32768xf32, #tpu.memory_space<vmem>>, vector<16xf32>,
          %parallel_loop3A_194 = arith.addi %parallel_loop3A_163, %broadcast_in_dim3A_11 : vector<16xi32>
          %parallel_loop3A_195 = tpu.vector_load_idx %arg8[%parallel_loop3A_194] : memref<8192xf32, #tpu.memory_space<vmem>>[vector<16xi32>], vector<16xf32>,
          %parallel_loop3A_196 = arith.constant 640 : i32
          %parallel_loop3A_197 = arith.addi %parallel_loop3A_161, %parallel_loop3A_196 : i32
          %parallel_loop3A_198 = arith.index_cast %parallel_loop3A_197 : i32 to index
          %parallel_loop3A_199 = tpu.vector_load %arg11[%parallel_loop3A_198] {strides = array<i32>} : memref<32768xf32, #tpu.memory_space<vmem>>, vector<16xf32>,
          tpu.vector_store %arg11[%parallel_loop3A_198], %parallel_loop3A_195 {strides = array<i32>} : memref<32768xf32, #tpu.memory_space<vmem>>, vector<16xf32>,
          %parallel_loop3A_200 = arith.addi %parallel_loop3A_163, %broadcast_in_dim3A_13 : vector<16xi32>
          %parallel_loop3A_201 = tpu.vector_load_idx %arg8[%parallel_loop3A_200] : memref<8192xf32, #tpu.memory_space<vmem>>[vector<16xi32>], vector<16xf32>,
          %parallel_loop3A_202 = arith.constant 768 : i32
          %parallel_loop3A_203 = arith.addi %parallel_loop3A_161, %parallel_loop3A_202 : i32
          %parallel_loop3A_204 = arith.index_cast %parallel_loop3A_203 : i32 to index
          %parallel_loop3A_205 = tpu.vector_load %arg11[%parallel_loop3A_204] {strides = array<i32>} : memref<32768xf32, #tpu.memory_space<vmem>>, vector<16xf32>,
          tpu.vector_store %arg11[%parallel_loop3A_204], %parallel_loop3A_201 {strides = array<i32>} : memref<32768xf32, #tpu.memory_space<vmem>>, vector<16xf32>,
          %parallel_loop3A_206 = arith.addi %parallel_loop3A_163, %broadcast_in_dim3A_15 : vector<16xi32>
          %parallel_loop3A_207 = tpu.vector_load_idx %arg8[%parallel_loop3A_206] : memref<8192xf32, #tpu.memory_space<vmem>>[vector<16xi32>], vector<16xf32>,
          %parallel_loop3A_208 = arith.constant 896 : i32
          %parallel_loop3A_209 = arith.addi %parallel_loop3A_161, %parallel_loop3A_208 : i32
          %parallel_loop3A_210 = arith.index_cast %parallel_loop3A_209 : i32 to index
          %parallel_loop3A_211 = tpu.vector_load %arg11[%parallel_loop3A_210] {strides = array<i32>} : memref<32768xf32, #tpu.memory_space<vmem>>, vector<16xf32>,
          tpu.vector_store %arg11[%parallel_loop3A_210], %parallel_loop3A_207 {strides = array<i32>} : memref<32768xf32, #tpu.memory_space<vmem>>, vector<16xf32>,
          %parallel_loop3A_212 = arith.addi %parallel_loop3A_163, %broadcast_in_dim3A_17 : vector<16xi32>
          %parallel_loop3A_213 = tpu.vector_load_idx %arg8[%parallel_loop3A_212] : memref<8192xf32, #tpu.memory_space<vmem>>[vector<16xi32>], vector<16xf32>,
          %parallel_loop3A_214 = arith.constant 16384 : i32
          %parallel_loop3A_215 = arith.addi %parallel_loop3A_161, %parallel_loop3A_214 : i32
          %parallel_loop3A_216 = arith.index_cast %parallel_loop3A_215 : i32 to index
          %parallel_loop3A_217 = tpu.vector_load %arg11[%parallel_loop3A_216] {strides = array<i32>} : memref<32768xf32, #tpu.memory_space<vmem>>, vector<16xf32>,
          tpu.vector_store %arg11[%parallel_loop3A_216], %parallel_loop3A_213 {strides = array<i32>} : memref<32768xf32, #tpu.memory_space<vmem>>, vector<16xf32>,
          %parallel_loop3A_218 = arith.addi %parallel_loop3A_163, %broadcast_in_dim3A_19 : vector<16xi32>
          %parallel_loop3A_219 = tpu.vector_load_idx %arg8[%parallel_loop3A_218] : memref<8192xf32, #tpu.memory_space<vmem>>[vector<16xi32>], vector<16xf32>,
          %parallel_loop3A_220 = arith.constant 16512 : i32
          %parallel_loop3A_221 = arith.addi %parallel_loop3A_161, %parallel_loop3A_220 : i32
          %parallel_loop3A_222 = arith.index_cast %parallel_loop3A_221 : i32 to index
          %parallel_loop3A_223 = tpu.vector_load %arg11[%parallel_loop3A_222] {strides = array<i32>} : memref<32768xf32, #tpu.memory_space<vmem>>, vector<16xf32>,
          tpu.vector_store %arg11[%parallel_loop3A_222], %parallel_loop3A_219 {strides = array<i32>} : memref<32768xf32, #tpu.memory_space<vmem>>, vector<16xf32>,
          %parallel_loop3A_224 = arith.addi %parallel_loop3A_163, %broadcast_in_dim3A_21 : vector<16xi32>
          %parallel_loop3A_225 = tpu.vector_load_idx %arg8[%parallel_loop3A_224] : memref<8192xf32, #tpu.memory_space<vmem>>[vector<16xi32>], vector<16xf32>,
          %parallel_loop3A_226 = arith.constant 16640 : i32
          %parallel_loop3A_227 = arith.addi %parallel_loop3A_161, %parallel_loop3A_226 : i32
          %parallel_loop3A_228 = arith.index_cast %parallel_loop3A_227 : i32 to index
          %parallel_loop3A_229 = tpu.vector_load %arg11[%parallel_loop3A_228] {strides = array<i32>} : memref<32768xf32, #tpu.memory_space<vmem>>, vector<16xf32>,
          tpu.vector_store %arg11[%parallel_loop3A_228], %parallel_loop3A_225 {strides = array<i32>} : memref<32768xf32, #tpu.memory_space<vmem>>, vector<16xf32>,
          %parallel_loop3A_230 = arith.addi %parallel_loop3A_163, %broadcast_in_dim3A_23 : vector<16xi32>
          %parallel_loop3A_231 = tpu.vector_load_idx %arg8[%parallel_loop3A_230] : memref<8192xf32, #tpu.memory_space<vmem>>[vector<16xi32>], vector<16xf32>,
          %parallel_loop3A_232 = arith.constant 16768 : i32
          %parallel_loop3A_233 = arith.addi %parallel_loop3A_161, %parallel_loop3A_232 : i32
          %parallel_loop3A_234 = arith.index_cast %parallel_loop3A_233 : i32 to index
          %parallel_loop3A_235 = tpu.vector_load %arg11[%parallel_loop3A_234] {strides = array<i32>} : memref<32768xf32, #tpu.memory_space<vmem>>, vector<16xf32>,
          tpu.vector_store %arg11[%parallel_loop3A_234], %parallel_loop3A_231 {strides = array<i32>} : memref<32768xf32, #tpu.memory_space<vmem>>, vector<16xf32>,
          %parallel_loop3A_236 = arith.addi %parallel_loop3A_163, %broadcast_in_dim3A_25 : vector<16xi32>
          %parallel_loop3A_237 = tpu.vector_load_idx %arg8[%parallel_loop3A_236] : memref<8192xf32, #tpu.memory_space<vmem>>[vector<16xi32>], vector<16xf32>,
          %parallel_loop3A_238 = arith.constant 16896 : i32
          %parallel_loop3A_239 = arith.addi %parallel_loop3A_161, %parallel_loop3A_238 : i32
          %parallel_loop3A_240 = arith.index_cast %parallel_loop3A_239 : i32 to index
          %parallel_loop3A_241 = tpu.vector_load %arg11[%parallel_loop3A_240] {strides = array<i32>} : memref<32768xf32, #tpu.memory_space<vmem>>, vector<16xf32>,
          tpu.vector_store %arg11[%parallel_loop3A_240], %parallel_loop3A_237 {strides = array<i32>} : memref<32768xf32, #tpu.memory_space<vmem>>, vector<16xf32>,
          %parallel_loop3A_242 = arith.addi %parallel_loop3A_163, %broadcast_in_dim3A_27 : vector<16xi32>
          %parallel_loop3A_243 = tpu.vector_load_idx %arg8[%parallel_loop3A_242] : memref<8192xf32, #tpu.memory_space<vmem>>[vector<16xi32>], vector<16xf32>,
          %parallel_loop3A_244 = arith.constant 17024 : i32
          %parallel_loop3A_245 = arith.addi %parallel_loop3A_161, %parallel_loop3A_244 : i32
          %parallel_loop3A_246 = arith.index_cast %parallel_loop3A_245 : i32 to index
          %parallel_loop3A_247 = tpu.vector_load %arg11[%parallel_loop3A_246] {strides = array<i32>} : memref<32768xf32, #tpu.memory_space<vmem>>, vector<16xf32>,
          tpu.vector_store %arg11[%parallel_loop3A_246], %parallel_loop3A_243 {strides = array<i32>} : memref<32768xf32, #tpu.memory_space<vmem>>, vector<16xf32>,
          %parallel_loop3A_248 = arith.addi %parallel_loop3A_163, %broadcast_in_dim3A_29 : vector<16xi32>
          %parallel_loop3A_249 = tpu.vector_load_idx %arg8[%parallel_loop3A_248] : memref<8192xf32, #tpu.memory_space<vmem>>[vector<16xi32>], vector<16xf32>,
          %parallel_loop3A_250 = arith.constant 17152 : i32
          %parallel_loop3A_251 = arith.addi %parallel_loop3A_161, %parallel_loop3A_250 : i32
          %parallel_loop3A_252 = arith.index_cast %parallel_loop3A_251 : i32 to index
          %parallel_loop3A_253 = tpu.vector_load %arg11[%parallel_loop3A_252] {strides = array<i32>} : memref<32768xf32, #tpu.memory_space<vmem>>, vector<16xf32>,
          tpu.vector_store %arg11[%parallel_loop3A_252], %parallel_loop3A_249 {strides = array<i32>} : memref<32768xf32, #tpu.memory_space<vmem>>, vector<16xf32>,
          %parallel_loop3A_254 = arith.addi %parallel_loop3A_163, %broadcast_in_dim3A_31 : vector<16xi32>
          %parallel_loop3A_255 = tpu.vector_load_idx %arg8[%parallel_loop3A_254] : memref<8192xf32, #tpu.memory_space<vmem>>[vector<16xi32>], vector<16xf32>,
          %parallel_loop3A_256 = arith.constant 17280 : i32
          %parallel_loop3A_257 = arith.addi %parallel_loop3A_161, %parallel_loop3A_256 : i32
          %parallel_loop3A_258 = arith.index_cast %parallel_loop3A_257 : i32 to index
          %parallel_loop3A_259 = tpu.vector_load %arg11[%parallel_loop3A_258] {strides = array<i32>} : memref<32768xf32, #tpu.memory_space<vmem>>, vector<16xf32>,
          tpu.vector_store %arg11[%parallel_loop3A_258], %parallel_loop3A_255 {strides = array<i32>} : memref<32768xf32, #tpu.memory_space<vmem>>, vector<16xf32>,
        } {sc.loop_unroll_factor = 2 : i64, sc.parallel_access}
        %mul3A_151 = arith.constant 32768 : i32
        %mul3A_152 = arith.muli %add3A_125, %mul3A_151 : i32
        %dma_start3A = tpu.memref_slice %arg4[%mul3A_152] : memref<102400000xf32, #tpu.memory_space<hbm>> -> memref<32768xf32, #tpu.memory_space<hbm>>
        %dma_start3A_153 = tpu.memref_slice %arg4[%mul3A_152] : memref<102400000xf32, #tpu.memory_space<hbm>> -> memref<32768xf32, #tpu.memory_space<hbm>>
        tpu.enqueue_dma source(%arg11 : memref<32768xf32, #tpu.memory_space<vmem>>) target(%dma_start3A_153 : memref<32768xf32, #tpu.memory_space<hbm>>) target_semaphore(%arg17 : memref<!tpu.dma_semaphore, #tpu.memory_space<semaphore_mem>>)
      } else {
      }
    }
    %scan3A_47 = arith.constant 33 : i32
    %add3A_48 = arith.constant 3008 : i32
    %add3A_49 = arith.addi %add3A, %add3A_48 : i32
    %add3A_50 = arith.constant 3104 : i32
    %add3A_51 = arith.addi %add3A, %add3A_50 : i32
    %lt3A_52 = arith.constant 3125 : i32
    %lt3A_53 = arith.cmpi slt, %add3A_49, %lt3A_52 : i32
    %ge3A = arith.constant 3125 : i32
    %ge3A_54 = arith.cmpi sge, %add3A_51, %ge3A : i32
    %and3A = arith.andi %lt3A_53, %ge3A_54 : i1
    %convert_element_type3A_55 = arith.extui %and3A : i1 to i32
    %cond3A_56 = arith.constant 0 : i32
    %cond3A_57 = arith.cmpi ne, %convert_element_type3A_55, %cond3A_56 : i32
    scf.if %cond3A_57 {
      %mul3A_94 = arith.constant 32768 : i32
      %mul3A_95 = arith.muli %add3A_49, %mul3A_94 : i32
      %dma_wait3A = tpu.memref_slice %arg4[%mul3A_95] : memref<102400000xf32, #tpu.memory_space<hbm>> -> memref<32768xf32, #tpu.memory_space<hbm>>
      %dma_wait3A_96 = tpu.memref_slice %arg4[%mul3A_95] : memref<102400000xf32, #tpu.memory_space<hbm>> -> memref<32768xf32, #tpu.memory_space<hbm>>
      tpu.wait_dma2 semaphore(%arg16 : memref<!tpu.dma_semaphore, #tpu.memory_space<semaphore_mem>>) src(%arg10 : memref<32768xf32, #tpu.memory_space<vmem>>) dst(%dma_wait3A_96 : memref<32768xf32, #tpu.memory_space<hbm>>)
    } else {
    }
    %add3A_58 = arith.constant 3040 : i32
    %add3A_59 = arith.addi %add3A, %add3A_58 : i32
    %add3A_60 = arith.constant 3136 : i32
    %add3A_61 = arith.addi %add3A, %add3A_60 : i32
    %lt3A_62 = arith.constant 3125 : i32
    %lt3A_63 = arith.cmpi slt, %add3A_59, %lt3A_62 : i32
    %ge3A_64 = arith.constant 3125 : i32
    %ge3A_65 = arith.cmpi sge, %add3A_61, %ge3A_64 : i32
    %and3A_66 = arith.andi %lt3A_63, %ge3A_65 : i1
    %convert_element_type3A_67 = arith.extui %and3A_66 : i1 to i32
    %cond3A_68 = arith.constant 0 : i32
    %cond3A_69 = arith.cmpi ne, %convert_element_type3A_67, %cond3A_68 : i32
    scf.if %cond3A_69 {
      %mul3A_94 = arith.constant 32768 : i32
      %mul3A_95 = arith.muli %add3A_59, %mul3A_94 : i32
      %dma_wait3A = tpu.memref_slice %arg4[%mul3A_95] : memref<102400000xf32, #tpu.memory_space<hbm>> -> memref<32768xf32, #tpu.memory_space<hbm>>
      %dma_wait3A_96 = tpu.memref_slice %arg4[%mul3A_95] : memref<102400000xf32, #tpu.memory_space<hbm>> -> memref<32768xf32, #tpu.memory_space<hbm>>
      tpu.wait_dma2 semaphore(%arg17 : memref<!tpu.dma_semaphore, #tpu.memory_space<semaphore_mem>>) src(%arg11 : memref<32768xf32, #tpu.memory_space<vmem>>) dst(%dma_wait3A_96 : memref<32768xf32, #tpu.memory_space<hbm>>)
    } else {
    }
    %add3A_70 = arith.constant 3072 : i32
    %add3A_71 = arith.addi %add3A, %add3A_70 : i32
    %add3A_72 = arith.constant 3168 : i32
    %add3A_73 = arith.addi %add3A, %add3A_72 : i32
    %lt3A_74 = arith.constant 3125 : i32
    %lt3A_75 = arith.cmpi slt, %add3A_71, %lt3A_74 : i32
    %ge3A_76 = arith.constant 3125 : i32
    %ge3A_77 = arith.cmpi sge, %add3A_73, %ge3A_76 : i32
    %and3A_78 = arith.andi %lt3A_75, %ge3A_77 : i1
    %convert_element_type3A_79 = arith.extui %and3A_78 : i1 to i32
    %cond3A_80 = arith.constant 0 : i32
    %cond3A_81 = arith.cmpi ne, %convert_element_type3A_79, %cond3A_80 : i32
    scf.if %cond3A_81 {
      %mul3A_94 = arith.constant 32768 : i32
      %mul3A_95 = arith.muli %add3A_71, %mul3A_94 : i32
      %dma_wait3A = tpu.memref_slice %arg4[%mul3A_95] : memref<102400000xf32, #tpu.memory_space<hbm>> -> memref<32768xf32, #tpu.memory_space<hbm>>
      %dma_wait3A_96 = tpu.memref_slice %arg4[%mul3A_95] : memref<102400000xf32, #tpu.memory_space<hbm>> -> memref<32768xf32, #tpu.memory_space<hbm>>
      tpu.wait_dma2 semaphore(%arg15 : memref<!tpu.dma_semaphore, #tpu.memory_space<semaphore_mem>>) src(%arg9 : memref<32768xf32, #tpu.memory_space<vmem>>) dst(%dma_wait3A_96 : memref<32768xf32, #tpu.memory_space<hbm>>)
    } else {
    }
    %add3A_82 = arith.constant 3104 : i32
    %add3A_83 = arith.addi %add3A, %add3A_82 : i32
    %add3A_84 = arith.constant 3200 : i32
    %add3A_85 = arith.addi %add3A, %add3A_84 : i32
    %lt3A_86 = arith.constant 3125 : i32
    %lt3A_87 = arith.cmpi slt, %add3A_83, %lt3A_86 : i32
    %ge3A_88 = arith.constant 3125 : i32
    %ge3A_89 = arith.cmpi sge, %add3A_85, %ge3A_88 : i32
    %and3A_90 = arith.andi %lt3A_87, %ge3A_89 : i1
    %convert_element_type3A_91 = arith.extui %and3A_90 : i1 to i32
    %cond3A_92 = arith.constant 0 : i32
    %cond3A_93 = arith.cmpi ne, %convert_element_type3A_91, %cond3A_92 : i32
    scf.if %cond3A_93 {
      %mul3A_94 = arith.constant 32768 : i32
      %mul3A_95 = arith.muli %add3A_83, %mul3A_94 : i32
      %dma_wait3A = tpu.memref_slice %arg4[%mul3A_95] : memref<102400000xf32, #tpu.memory_space<hbm>> -> memref<32768xf32, #tpu.memory_space<hbm>>
      %dma_wait3A_96 = tpu.memref_slice %arg4[%mul3A_95] : memref<102400000xf32, #tpu.memory_space<hbm>> -> memref<32768xf32, #tpu.memory_space<hbm>>
      tpu.wait_dma2 semaphore(%arg16 : memref<!tpu.dma_semaphore, #tpu.memory_space<semaphore_mem>>) src(%arg10 : memref<32768xf32, #tpu.memory_space<vmem>>) dst(%dma_wait3A_96 : memref<32768xf32, #tpu.memory_space<hbm>>)
    } else {
    }
    return
  }
}

</mosaic_0001>

<sc_bundles>
// kernel: kernel.3.cloned.1.call-start
scs
__scs_entry_jumppad:
0x0: {  	(pc) =	sbr.rel $0x88, $3  }
0x1: {  	(tag) =	ssettag $0x0;
	lr =	simm.s32 $0x1  }
0x2: {  	[smem:$0x3FA0] =	sst lr;
	_ =	strace $0xD0000000  }
0x3: {  	_ = 	snop  }
0x4: {  	_ = 	snop  }
0x5: {  	_ = 	snop  }
0x6: {  	_ = 	snop  }
0x7: {  	_ = 	snop  }
__scs_overlays_trampoline_lowered:
0x8: {  	[smem:$0x3FAF] =	sst s0  }
0x9: {  	[smem:$0x3FB0] =	sst s1  }
0xa: {  	[smem:$0x3FB1] =	sst s2  }
0xb: {  	[smem:$0x3FB2] =	sst s3  }
0xc: {  	[smem:$0x3FB3] =	sst s4  }
0xd: {  	[smem:$0x3FB4] =	sst s5  }
0xe: {  	[smem:$0x3FB5] =	sst s6  }
0xf: {  	[smem:$0x3FB6] =	sst s7  }
0x10: {  	[smem:$0x3FB7] =	sst s8  }
0x11: {  	[smem:$0x3FB8] =	sst s9;
	s0 =	simm.s32 @!p0 $0x0  }
0x12: {  	s1 =	sld [smem:$0x3F9E];
	s0 =	simm.s32 @p0 $0x1  }
0x13: {  	[smem:$0x3FB9] =	sst s0;
	s0 =	simm.s32 @!p1 $0x0  }
0x14: {  	s2 =	sld [smem:$0x3F9D];
	s0 =	simm.s32 @p1 $0x1  }
0x15: {  	[smem:$0x3FBA] =	sst s0;
	s0 =	simm.s32 @!p2 $0x0  }
0x16: {  	s3 =	sld [smem:$0x3FDB];
	s0 =	simm.s32 @p2 $0x1  }
0x17: {  	s4 =	simm.s32 $0x1BF5;
	[smem:$0x3FBC] =	sst s0  }
0x18: {  	s0 =	sld [smem:$0x3F9F];
	_ =	swait.ge [sflag:s4], $0x0  }
0x19: {  	s7 =	sld [smem:$0x3FA0]  }
0x1a: {  	s8 =	sadd.s32 $0xFFFFE003, lr  }
0x1b: {  	s9 =	sadd.s32 $0xFFFFFEF7, lr;
	s5 =	simm.s32 $0xFFFFFFFF;
	p2 =	slt.u32 s8, $0xFFFFF086  }
0x1c: {  	p1 =	slt.u32 s9, $0xF7A;
	s5 =	simm.s32 @!p2 $0x0  }
0x1d: {  	s5 =	simm.s32 @p1 $0x1;
	p0 =	seq.s32 s7, s2  }
0x1e: {  	s7 =	smul.u32 @!p0 $0xF7A, s2;
	p2 =	seq.s32 @!p0 s5, $0x0  }
0x1f: {  	s9 =	smul.u32 $0xF7A, s1;
	s8 =	simm.s32 @!p0 $0x1BF5;
	p2 =	por !p2, p0  }
0x20: {  	[sflag:s8] =	ssyncset.s32 @!p0 $0xFFFFF086;
	s6 =	sadd.s32 @!p0 s3, s7;
	s7 =	simm.s32 @!p0 $0x108  }
0x21: {  	s3 =	sadd.s32 s3, s9;
	s6 =	sadd.s32 @!p0 $0x88, s6;
	s7 =	simm.s32 @p2 $0x1082  }
0x22: {  	[simem:s7], [sflag:s8] =	dma.local @!p0 [hbm:s6], $0xF7A  }
0x23: {  	s9 =	sor.u32 $0xD0000000, s2;
	s6 =	simm.s32 $0x108;
	_ =	swait.ge @!p0 [sflag:s8], $0x0  }
0x24: {  	s3 =	sadd.s32 $0x88, s3;
	s6 =	simm.s32 @!p1 $0x1082;
	[sflag:s4] =	ssyncset.s32 $0xFFFFF086  }
0x25: {  	[simem:s6], [sflag:s4] =	dma.local [hbm:s3], $0xF7A  }
0x26: {  	[smem:$0x3FA0] =	sst s1;
	(tag) =	ssettag s2;
	_ =	strace s9  }
0x27: {  	s1 =	sld [smem:$0x3FB0]  }
0x28: {  	s2 =	sld [smem:$0x3FB1]  }
0x29: {  	s4 =	sld [smem:$0x3FB3]  }
0x2a: {  	p0 =	seq.s32 s5, $0x0;
	s5 =	sld [smem:$0x3FB4]  }
0x2b: {  	s6 =	sld [smem:$0x3FB5]  }
0x2c: {  	s7 =	sld [smem:$0x3FB6]  }
0x2d: {  	s3 =	simm.s32 $0x108;
	s8 =	sld [smem:$0x3FB7]  }
0x2e: {  	s3 =	simm.s32 @!p0 $0x1082;
	s9 =	sld [smem:$0x3FB8]  }
0x2f: {  	lr =	sadd.s32 s0, s3;
	s0 =	sld [smem:$0x3FAF]  }
0x30: {  	s3 =	sld [smem:$0x3FB2]  }
0x31: {  	[smem:$0x3FBB] =	sst s10  }
0x32: {  	s10 =	sld [smem:$0x3FB9];
	_ =	sdelay $0x3  }
0x33: {  	p0 =	seq.s32 s10, $0x1;
	s10 =	sld [smem:$0x3FBB];
	_ =	sdelay $0x3  }
0x34: {  	[smem:$0x3FBB] =	sst s10  }
0x35: {  	s10 =	sld [smem:$0x3FBA];
	_ =	sdelay $0x3  }
0x36: {  	p1 =	seq.s32 s10, $0x1;
	s10 =	sld [smem:$0x3FBB];
	_ =	sdelay $0x3  }
0x37: {  	[smem:$0x3FBB] =	sst s10  }
0x38: {  	s10 =	sld [smem:$0x3FBC]  }
0x39: {  	_ = 	snop;
	(pc) =	sbr.ind lr, $3  }
0x3a: {  	_ = 	snop  }
0x3b: {  	_ = 	snop  }
0x3c: {  	p2 =	seq.s32 s10, $0x1;
	s10 =	sld [smem:$0x3FBB]  }
0x3d: {  	_ =	shalt  }
0x3e: {  	_ =	shalt  }
0x3f: {  	_ =	shalt  }
0x40: {  	_ =	shalt  }
0x41: {  	_ =	shalt  }
0x42: {  	_ =	shalt  }
0x43: {  	_ =	shalt  }
0x44: {  	_ =	shalt  }
0x45: {  	_ =	shalt  }
0x46: {  	_ =	shalt  }
0x47: {  	_ =	shalt  }
0x48: {  	_ =	shalt  }
0x49: {  	_ =	shalt  }
0x4a: {  	_ =	shalt  }
0x4b: {  	_ =	shalt  }
0x4c: {  	_ =	shalt  }
0x4d: {  	_ =	shalt  }
0x4e: {  	_ =	shalt  }
0x4f: {  	_ =	shalt  }
0x50: {  	_ =	shalt  }
0x51: {  	_ =	shalt  }
0x52: {  	_ =	shalt  }
0x53: {  	_ =	shalt  }
0x54: {  	_ =	shalt  }
0x55: {  	_ =	shalt  }
0x56: {  	_ =	shalt  }
0x57: {  	_ =	shalt  }
0x58: {  	_ =	shalt  }
0x59: {  	_ =	shalt  }
0x5a: {  	_ =	shalt  }
0x5b: {  	_ =	shalt  }
0x5c: {  	_ =	shalt  }
0x5d: {  	_ =	shalt  }
0x5e: {  	_ =	shalt  }
0x5f: {  	_ =	shalt  }
0x60: {  	_ =	shalt  }
0x61: {  	_ =	shalt  }
0x62: {  	_ =	shalt  }
0x63: {  	_ =	shalt  }
0x64: {  	_ =	shalt  }
0x65: {  	_ =	shalt  }
0x66: {  	_ =	shalt  }
0x67: {  	_ =	shalt  }
0x68: {  	_ =	shalt  }
0x69: {  	_ =	shalt  }
0x6a: {  	_ =	shalt  }
0x6b: {  	_ =	shalt  }
0x6c: {  	_ =	shalt  }
0x6d: {  	_ =	shalt  }
0x6e: {  	_ =	shalt  }
0x6f: {  	_ =	shalt  }
0x70: {  	_ =	shalt  }
0x71: {  	_ =	shalt  }
0x72: {  	_ =	shalt  }
0x73: {  	_ =	shalt  }
0x74: {  	_ =	shalt  }
0x75: {  	_ =	shalt  }
0x76: {  	_ =	shalt  }
0x77: {  	_ =	shalt  }
0x78: {  	_ =	shalt  }
0x79: {  	_ =	shalt  }
0x7a: {  	_ =	shalt  }
0x7b: {  	_ =	shalt  }
0x7c: {  	_ =	shalt  }
0x7d: {  	_ =	shalt  }
0x7e: {  	_ =	shalt  }
0x7f: {  	_ =	shalt  }
0x80: {  	_ =	shalt  }
0x81: {  	_ =	shalt  }
0x82: {  	_ =	shalt  }
0x83: {  	_ =	shalt  }
0x84: {  	_ =	shalt  }
0x85: {  	_ =	shalt  }
0x86: {  	_ =	shalt  }
0x87: {  	_ =	shalt  }
.Lfunc_end0:
.L_simem_size_0:
called_computation_lowered:
.L_overlay_start_0:
0x88: {  	s2 =	sld [smem:$0x3FD9]  }
0x89: {  	s3 =	sld [smem:$0x3FFE];
	_ =	sdelay $0x1  }
0x8a: {  	s1 =	srdreg.scid  }
0x8b: {  	s0 =	sand.u32 $0x1, s1  }
0x8c: {  	s17 =	sshll.u32 s0, $0xA;
	s2 =	sadd.s32 s3, s2  }
0x8d: {  	s2 =	sadd.s32 s2, s17  }
0x8e: {  	[smem:$0x3FC7] =	sst s2  }
0x8f: {  	_ = 	snop  }
0x90: {  	s2 =	sld [smem:$0x3FC9]  }
0x91: {  	s18 =	sld [smem:$0x3FD0];
	(tm) =	ssettm $0x1  }
0x92: {  	s4 =	sld [smem:$0x3FFB];
	_ =	sdelay $0x3  }
0x93: {  	_ =	strace s4  }
0x94: {  	s4 =	sld [smem:$0x3FFC];
	_ =	sdelay $0x3  }
0x95: {  	_ =	strace s4  }
0x96: {  	s4 =	sld [smem:$0x3FFD];
	_ =	sdelay $0x3  }
0x97: {  	_ =	strace s4  }
0x98: {  	_ =	strace $0x8FFFFFFF  }
0x99: {  	s19 =	sld [smem:$0x3FDB];
	_ =	sdelay $0x1  }
0x9a: {  	s5 =	simm.s32 $_scs_section_size  }
0x9b: {  	s6 =	simm.s32 $_size__tile_overlayer_lowered;
	s7 =	simm.s32 $_tile_overlayer_lowered  }
0x9c: {  	s22 =	simm.s32 $0x1BFF;
	s21 =	sshll.u32 s7, $0x1;
	s4 =	sadd.s32 s5, s19  }
0x9d: {  	s8 =	simm.s32 $0x0;
	s20 =	sshll.u32 s6, $0x1;
	s6 =	sadd.s32 s21, s4  }
0x9e: {  	[timem:s8], [sflag:s22] =	dma.local [hbm:s6], s20  }
0x9f: {  	_ =	swait.ge [sflag:s22], s20  }
0xa0: {  	s5 =	ssub.s32 $0x0, s20;
	[sflag:s22] =	ssyncset.done $0x0  }
0xa1: {  	[sflag:s22] =	ssyncadd.s32 s5;
	_ =	sdelay $0x1  }
0xa2: {  	s23 =	simm.s32 $0x1B8B  }
0xa3: {  	_ =	swait.ge [sflag:s23], $0x1  }
0xa4: {  	[sflag:s23] =	ssyncset.done $0x0  }
0xa5: {  	s25 =	simm.s32 $0x1B8E;
	s24 =	sld [smem:$0x3FFE];
	[sflag:s23] =	ssyncadd.s32 $0xFFFFFFFF  }
0xa6: {  	s26 =	simm.s32 $execute0_lowered;
	[smem:$0x3FD2] =	sst s25  }
0xa7: {  	s6 =	sshll.u32 s26, $0x1;
	_ =	strace $0x80000046;
	[dreg:$0x1] =	wrdreg $0xFFFFFFFF  }
0xa8: {  	s28 =	simm.s32 $_size_execute0_lowered;
	s4 =	sadd.s32 s4, s6;
	[dreg:$0x0] =	wrdreg $0x0  }
0xa9: {  	s6 =	sshll.u32 s28, $0x1;
	[dreg:$0x2] =	wrdreg s4  }
0xaa: {  	[dreg:$0x3] =	wrdreg s6  }
0xab: {  	[dreg:$0x4] =	wrdreg $0xC0  }
0xac: {  	_ =	task [dreg:s8], $0x5FFFF  }
0xad: {  	[dreg:$0x1] =	wrdreg $0xFFFFFFFF  }
0xae: {  	[dreg:$0x0] =	wrdreg $0x60  }
0xaf: {  	[dreg:$0x2] =	wrdreg s2  }
0xb0: {  	[dreg:$0x3] =	wrdreg s24  }
0xb1: {  	[dreg:$0x4] =	wrdreg s18  }
0xb2: {  	[dreg:$0x5] =	wrdreg $0x9  }
0xb3: {  	_ =	task.clear_ibuf [dreg:s8], $0x6FFFF;
	_ =	strace $0x90000046  }
0xb4: {  	s29 =	simm.s32 $0x9;
	_ =	strace $0x80000048  }
0xb5: {  	_ =	swait.ge [sflag:s29], $0x1  }
0xb6: {  	[sflag:s29] =	ssyncadd.s32 $0xFFFFFFFF  }
0xb7: {  	_ =	strace $0x90000048  }
0xb8: {  	_ =	sfence  }
0xb9: {  	s30 =	sld [smem:$0x0];
	_ =	sdelay $0x2  }
0xba: {  	s31 =	sshll.u32 s1, $0xD;
	s1 =	sshrl.u32 s1, $0x2  }
0xbb: {  	s3 =	sand.u32 $0x4000, s31;
	s1 =	sadd.s32 s1, s30  }
0xbc: {  	s0 =	sor.u32 s3, s0;
	s1 =	sshll.u32 s1, $0x11  }
0xbd: {  	s0 =	sor.u32 s1, s0  }
0xbe: {  	s0 =	sadd.s32 $0x8F2B, s0  }
0xbf: {  	[sflag:s0] =	ssyncadd.remote.s32 $0x1  }
0xc0: {  	_ =	sfence.sel $0xFFFF  }
0xc1: {  	[dreg:$0x0] =	wrdreg $0xFFFFFFFF;
	(pc) =	sbr.abs _section_cstart, $3  }
0xc2: {  	[dreg:$0x1] =	wrdreg $0xFFFFFFFF  }
0xc3: {  	_ =	task.clear_ibuf [dreg:s8], $0x2FFFF;
	_ =	strace $0x9FFFFFFF  }
0xc4: {  	(tm) =	ssettm $0x7FFFFFFF  }
0xc5: {  	_ =	shalt  }
tec
execute0_lowered:
.L_overlay_start_1:
0x0: {  	(tag) =	ssettag $0x1  }
0x1: {  	s1 =	rddreg [dreg:$0x0]  }
0x2: {  	s0 =	rddreg [dreg:$0x1]  }
0x3: {  	s3 =	rddreg [dreg:$0x2];
	s2 =	srdreg.scid  }
0x4: {  	s5 =	stileid.u32;
	s4 =	simm.s32 $0x0;
	s15 =	simm.s32 $0x800  }
0x5: {  	s16 =	simm.s32 $0x2800;
	s17 =	simm.s32 $0x1;
	s18 =	simm.s32 $0x6800  }
0x6: {  	s19 =	simm.s32 $0x2;
	s20 =	simm.s32 $0xE800;
	s21 =	simm.s32 $0x3  }
0x7: {  	s22 =	simm.s32 $0x4800;
	s23 =	simm.s32 $0x16800;
	s26 =	simm.s32 $0x0  }
0x8: {  	s2 =	sand.u32 $0x1, s2;
	s5 =	sshll.u32 s5, $0x1;
	[smem:$0x7FF] =	sst s4  }
0x9: {  	s0 =	sadd.s32 $0x400, s0;
	s6 =	ssub.s32 $0x2, s2;
	s5 =	sor.u32 s2, s5  }
0xa: {  	_ =	strace $0x80000047;
	[dreg:$0x4] =	wrdreg s0;
	s29 =	sshrl.u32 s6, $0x1  }
.Ltmp0:
0xb: {  	s7 =	sshll.u32 s5, $0xA;
	s9 =	sor.u32 $0x40, s5;
	(pc) =	sbr.rel .LBB2_1-.Ltmp0, $4  }
0xc: {  	s10 =	sor.u32 $0x20, s5;
	s11 =	sor.u32 $0x60, s5;
	s31 =	sadd.s32 s1, s7  }
0xd: {  	s30 =	ssub.s32 s6, s29;
	[dreg:$0x5] =	wrdreg s31;
	s2 =	sadd.s32 $0x8000, s31  }
0xe: {  	s12 =	sor.u32 $0x80, s5;
	s0 =	smax.u32 s30, $0x1;
	[dreg:$0x6] =	wrdreg s2  }
0xf: {  	p0 =	slt.u32 s5, $0x15;
	p1 =	sgt.u32 s5, $0x14;
	[dreg:$0x7] =	wrdreg s0  }
.LBB2_13:
0x10: {  	s0 =	simm.s32 @!p0 $0x5  }
0x11: {  	_ =	swait.ge @!p0 [sflag:s0], $0x8000  }
0x12: {  	[sflag:s0] =	ssyncset.done @!p0 $0x0  }
0x13: {  	s30 =	simm.s32 $0x6;
	[sflag:s0] =	ssyncadd.s32 @!p0 $0xFFFF8000  }
0x14: {  	_ =	swait.ge [sflag:s30], $0x8000  }
0x15: {  	[sflag:s30] =	ssyncset.done $0x0  }
0x16: {  	s31 =	simm.s32 $0x4;
	[sflag:s30] =	ssyncadd.s32 $0xFFFF8000  }
0x17: {  	_ =	swait.ge [sflag:s31], $0x8000  }
0x18: {  	[sflag:s31] =	ssyncset.done $0x0  }
0x19: {  	s0 =	simm.s32 @!p1 $0x5;
	[sflag:s31] =	ssyncadd.s32 $0xFFFF8000  }
0x1a: {  	_ =	swait.ge @!p1 [sflag:s0], $0x8000  }
0x1b: {  	s26 =	sadd.s32 $0x1, s26;
	s2 =	rddreg [dreg:$0x7]  }
0x1c: {  	p2 =	sne.s32 s26, s2  }
.Ltmp1:
0x1d: {  	_ = 	snop;
	(pc) =	sbr.rel @!p2 .LBB2_14-.Ltmp1, $3  }
0x1e: {  	_ =	sdelay $0x1  }
0x1f: {  	[sflag:s0] =	ssyncset.done @!p1 $0x0  }
0x20: {  	[sflag:s0] =	ssyncadd.s32 @!p1 $0xFFFF8000  }
.LBB2_1:
0x21: {  	s0 =	rddreg [dreg:$0x4];
	s29 =	simm.s32 $0x7  }
0x22: {  	[tilespmem:s4], [sflag:$0x7] =	stream.linear.gather [hbm4b:s0+s4], $0x800, $0x38;
	[tilespmem:$0x1E800] =	vst v63  }
0x23: {  	_ =	swait.ge [sflag:s29], $0x800  }
.Ltmp2:
0x24: {  	[sflag:s29] =	ssyncset.done $0x0;
	(pc) =	sbr.rel .LBB2_2-.Ltmp2, $4  }
0x25: {  	s30 =	rddreg [dreg:$0x5];
	[sflag:s29] =	ssyncadd.s32 $0xFFFFF800  }
0x26: {  	[tilespmem:s15], [sflag:$0x1] =	stream.linear.gather [hbm4b:s30+s4], $0x2000, $0x38;
	[tilespmem:$0x1E800] =	vst v63  }
0x27: {  	s28 =	simm.s32 $0x0;
	s31 =	rddreg [dreg:$0x6]  }
0x28: {  	[tilespmem:s16], [sflag:$0x2] =	stream.linear.gather [hbm4b:s31+s4], $0x2000, $0x38;
	[tilespmem:$0x1E800] =	vst v63  }
.LBB2_12:
0x29: {  	s28 =	sadd.s32 $0x1, s28  }
0x2a: {  	p2 =	sne.s32 s28, $0x21  }
.Ltmp3:
0x2b: {  	_ = 	snop;
	(pc) =	sbr.rel @!p2 .LBB2_13-.Ltmp3, $1  }
0x2c: {  	_ =	sdelay $0x3  }
.LBB2_2:
0x2d: {  	_ =	swait.ge [sflag:s17], $0x2000  }
0x2e: {  	s30 =	smul.u32 $0x60, s28;
	p2 =	seq.s32 s28, $0x0;
	[sflag:s17] =	ssyncset.done $0x0  }
0x2f: {  	s0 =	simm.s32 @!p2 $0x4;
	[sflag:s17] =	ssyncadd.s32 $0xFFFFE000  }
0x30: {  	s29 =	sadd.s32 s9, s30;
	_ =	swait.ge @!p2 [sflag:s0], $0x8000  }
0x31: {  	p3 =	sgt.u32 s29, $0xC34;
	[sflag:s0] =	ssyncset.done @!p2 $0x0  }
0x32: {  	[sflag:s0] =	ssyncadd.s32 @!p2 $0xFFFF8000;
	s0 =	sshll.u32 @!p3 s29, $0xA  }
0x33: {  	s2 =	simm.s32 @!p3 $0x0;
	s6 =	simm.s32 @!p3 $0x4800;
	s0 =	sadd.s32 @!p3 s1, s0  }
0x34: {  	[tilespmem:s6], [sflag:$0x3] =	stream.linear.gather @!p3 [hbm4b:s0+s2], $0x2000, $0x38;
	[tilespmem:$0x1E800] =	vst v63  }
0x35: {  	s2 =	simm.s32 $0x0  }
0x36: {  	v4 =	vld [tilespmem:s2+$0x10];
	_ =	sdelay $0x3  }
0x37: {  	v3 =	vld [tilespmem:s2+$0x0];
	_ =	sdelay $0x3  }
0x38: {  	s6 =	simm.s32 $0x0;
	v0 =	vld.idx.msk [tilespmem:v4+s15+$0x0], $0xffff  }
0x39: {  	s0 =	smul.u32 $0xE00, s6;
	v1 =	vadd.s32 $0x80, v4;
	_ =	sdelay $0x1  }
0x3a: {  	s0 =	sshra.s32 s0, $0x2  }
0x3b: {  	s31 =	sadd.s32 $0x0, s0;
	v2 =	vld.idx.msk [tilespmem:v3+s15+$0x0], $0xffff  }
0x3c: {  	v5 =	vadd.s32 $0x80, v3;
	[tilespmem:s31+$0x6810] =	vst v0  }
0x3d: {  	v0 =	vld.idx.msk [tilespmem:v1+s15+$0x0], $0xffff  }
0x3e: {  	v1 =	vadd.s32 $0x100, v4;
	_ =	sdelay $0x1  }
0x3f: {  	[tilespmem:s31+$0x6800] =	vst v2  }
0x40: {  	v2 =	vld.idx.msk [tilespmem:v5+s15+$0x0], $0xffff  }
0x41: {  	v5 =	vadd.s32 $0x100, v3;
	[tilespmem:s31+$0x6890] =	vst v0  }
0x42: {  	v0 =	vld.idx.msk [tilespmem:v1+s15+$0x0], $0xffff  }
0x43: {  	v1 =	vadd.s32 $0x180, v4;
	_ =	sdelay $0x1  }
0x44: {  	[tilespmem:s31+$0x6880] =	vst v2  }
0x45: {  	v6 =	vld.idx.msk [tilespmem:v5+s15+$0x0], $0xffff  }
0x46: {  	v7 =	vadd.s32 $0x180, v3;
	[tilespmem:s31+$0x6910] =	vst v0  }
0x47: {  	v1 =	vld.idx.msk [tilespmem:v1+s15+$0x0], $0xffff  }
0x48: {  	v2 =	vadd.s32 $0x200, v4  }
0x49: {  	s7 =	simm.s32 $0x20  }
0x4a: {  	v0 =	vld [tilespmem:s7+$0x10];
	[tilespmem:s31+$0x6900] =	vst v6  }
0x4b: {  	v6 =	vld.idx.msk [tilespmem:v7+s15+$0x0], $0xffff  }
0x4c: {  	v7 =	vadd.s32 $0x200, v3;
	[tilespmem:s31+$0x6990] =	vst v1  }
0x4d: {  	v1 =	vld.idx.msk [tilespmem:v2+s15+$0x0], $0xffff  }
0x4e: {  	v5 =	vld [tilespmem:s7+$0x0];
	v2 =	vadd.s32 $0x280, v4;
	_ =	sdelay $0x1  }
0x4f: {  	[tilespmem:s31+$0x6980] =	vst v6  }
0x50: {  	v7 =	vld.idx.msk [tilespmem:v7+s15+$0x0], $0xffff  }
0x51: {  	s8 =	simm.s32 $0x0;
	v11 =	vadd.s32 $0x280, v3;
	v8 =	vld.idx.msk [tilespmem:v0+s15+$0x0], $0xffff;
	[tilespmem:s31+$0x6A10] =	vst v1  }
0x52: {  	s0 =	smul.u32 $0xE00, s8;
	v1 =	vld.idx.msk [tilespmem:v2+s15+$0x0], $0xffff;
	v2 =	vadd.s32 $0x80, v0;
	_ =	sdelay $0x1  }
0x53: {  	v9 =	vadd.s32 $0x300, v4;
	s0 =	sshra.s32 s0, $0x2  }
0x54: {  	s0 =	sadd.s32 $0x20, s0;
	v10 =	vld.idx.msk [tilespmem:v5+s15+$0x0], $0xffff;
	[tilespmem:s31+$0x6A00] =	vst v7  }
0x55: {  	v6 =	vadd.s32 $0x80, v5;
	[tilespmem:s0+$0x6810] =	vst v8;
	v7 =	vld.idx.msk [tilespmem:v11+s15+$0x0], $0xffff  }
0x56: {  	v11 =	vadd.s32 $0x300, v3;
	v2 =	vld.idx.msk [tilespmem:v2+s15+$0x0], $0xffff  }
0x57: {  	v8 =	vadd.s32 $0x100, v0;
	[tilespmem:s31+$0x6A90] =	vst v1  }
0x58: {  	v1 =	vld.idx.msk [tilespmem:v9+s15+$0x0], $0xffff  }
0x59: {  	[tilespmem:s0+$0x6800] =	vst v10;
	v9 =	vadd.s32 $0x380, v4  }
0x5a: {  	v6 =	vld.idx.msk [tilespmem:v6+s15+$0x0], $0xffff;
	[tilespmem:s31+$0x6A80] =	vst v7  }
0x5b: {  	v10 =	vadd.s32 $0x100, v5;
	v7 =	vld.idx.msk [tilespmem:v11+s15+$0x0], $0xffff;
	[tilespmem:s0+$0x6890] =	vst v2  }
0x5c: {  	v11 =	vadd.s32 $0x380, v3;
	v2 =	vld.idx.msk [tilespmem:v8+s15+$0x0], $0xffff  }
0x5d: {  	[tilespmem:s31+$0x6B10] =	vst v1;
	v8 =	vadd.s32 $0x180, v0  }
0x5e: {  	v1 =	vld.idx.msk [tilespmem:v9+s15+$0x0], $0xffff  }
0x5f: {  	[tilespmem:s0+$0x6880] =	vst v6;
	v6 =	vadd.s32 $0x1000, v4  }
0x60: {  	[tilespmem:s31+$0x6B00] =	vst v7;
	v9 =	vld.idx.msk [tilespmem:v10+s15+$0x0], $0xffff  }
0x61: {  	v10 =	vadd.s32 $0x180, v5;
	v11 =	vld.idx.msk [tilespmem:v11+s15+$0x0], $0xffff;
	[tilespmem:s0+$0x6910] =	vst v2  }
0x62: {  	s13 =	simm.s32 $0x40;
	v2 =	vld.idx.msk [tilespmem:v8+s15+$0x0], $0xffff  }
0x63: {  	v12 =	vadd.s32 $0x200, v0;
	[tilespmem:s31+$0x6B90] =	vst v1;
	v1 =	vld [tilespmem:s13+$0x10]  }
0x64: {  	v13 =	vadd.s32 $0x1000, v3;
	v6 =	vld.idx.msk [tilespmem:v6+s15+$0x0], $0xffff  }
0x65: {  	[tilespmem:s0+$0x6900] =	vst v9;
	v9 =	vadd.s32 $0x1080, v4;
	v8 =	vld [tilespmem:s13+$0x0]  }
0x66: {  	v10 =	vld.idx.msk [tilespmem:v10+s15+$0x0], $0xffff  }
0x67: {  	v7 =	vadd.s32 $0x200, v5;
	[tilespmem:s0+$0x6990] =	vst v2  }
0x68: {  	[tilespmem:s31+$0x6B80] =	vst v11;
	v2 =	vld.idx.msk [tilespmem:v12+s15+$0x0], $0xffff  }
0x69: {  	[tilespmem:s31+$0xA810] =	vst v6;
	v12 =	vld.idx.msk [tilespmem:v13+s15+$0x0], $0xffff  }
0x6a: {  	v6 =	vld.idx.msk [tilespmem:v9+s15+$0x0], $0xffff;
	v9 =	vadd.s32 $0x280, v0  }
0x6b: {  	[tilespmem:s0+$0x6980] =	vst v10;
	v13 =	vadd.s32 $0x1080, v3  }
0x6c: {  	v10 =	vadd.s32 $0x1100, v4;
	v7 =	vld.idx.msk [tilespmem:v7+s15+$0x0], $0xffff  }
0x6d: {  	s14 =	simm.s32 $0x0;
	v11 =	vadd.s32 $0x280, v5;
	v15 =	vld.idx.msk [tilespmem:v8+s15+$0x0], $0xffff;
	[tilespmem:s0+$0x6A10] =	vst v2  }
0x6e: {  	s2 =	smul.u32 $0xE00, s14;
	v16 =	vadd.s32 $0x80, v8;
	v14 =	vld.idx.msk [tilespmem:v1+s15+$0x0], $0xffff;
	[tilespmem:s31+$0xA800] =	vst v12  }
0x6f: {  	v2 =	vld.idx.msk [tilespmem:v9+s15+$0x0], $0xffff;
	[tilespmem:s31+$0xA890] =	vst v6;
	v6 =	vadd.s32 $0x80, v1  }
0x70: {  	s2 =	sshra.s32 s2, $0x2;
	v13 =	vld.idx.msk [tilespmem:v13+s15+$0x0], $0xffff  }
0x71: {  	s2 =	sadd.s32 $0x40, s2;
	[tilespmem:s0+$0x6A00] =	vst v7;
	v9 =	vld.idx.msk [tilespmem:v10+s15+$0x0], $0xffff;
	v10 =	vadd.s32 $0x300, v0  }
0x72: {  	v7 =	vadd.s32 $0x1180, v4;
	v11 =	vld.idx.msk [tilespmem:v11+s15+$0x0], $0xffff;
	[tilespmem:s2+$0x6800] =	vst v15  }
0x73: {  	v12 =	vadd.s32 $0x300, v5;
	[tilespmem:s2+$0x6810] =	vst v14;
	v15 =	vld.idx.msk [tilespmem:v16+s15+$0x0], $0xffff  }
0x74: {  	s24 =	simm.s32 $0x60;
	v14 =	vadd.s32 $0x1100, v3;
	v6 =	vld.idx.msk [tilespmem:v6+s15+$0x0], $0xffff;
	[tilespmem:s0+$0x6A90] =	vst v2  }
0x75: {  	v29 =	vld [tilespmem:s24+$0x0];
	v16 =	vadd.s32 $0x100, v8;
	[tilespmem:s31+$0xA880] =	vst v13  }
0x76: {  	v2 =	vld.idx.msk [tilespmem:v10+s15+$0x0], $0xffff;
	[tilespmem:s31+$0xA910] =	vst v9;
	v9 =	vadd.s32 $0x100, v1  }
0x77: {  	v10 =	vadd.s32 $0x380, v0;
	[tilespmem:s0+$0x6A80] =	vst v11;
	v7 =	vld.idx.msk [tilespmem:v7+s15+$0x0], $0xffff  }
0x78: {  	v11 =	vadd.s32 $0x1200, v4;
	v12 =	vld.idx.msk [tilespmem:v12+s15+$0x0], $0xffff;
	[tilespmem:s2+$0x6880] =	vst v15  }
0x79: {  	v13 =	vadd.s32 $0x380, v5;
	[tilespmem:s2+$0x6890] =	vst v6;
	v6 =	vld.idx.msk [tilespmem:v14+s15+$0x0], $0xffff  }
0x7a: {  	v15 =	vld.idx.msk [tilespmem:v16+s15+$0x0], $0xffff;
	v14 =	vadd.s32 $0x1180, v3  }
0x7b: {  	v16 =	vadd.s32 $0x180, v8;
	v9 =	vld.idx.msk [tilespmem:v9+s15+$0x0], $0xffff;
	[tilespmem:s0+$0x6B10] =	vst v2  }
0x7c: {  	v2 =	vld.idx.msk [tilespmem:v10+s15+$0x0], $0xffff;
	[tilespmem:s31+$0xA990] =	vst v7;
	v7 =	vadd.s32 $0x180, v1  }
0x7d: {  	[tilespmem:s0+$0x6B00] =	vst v12;
	v10 =	vld.idx.msk [tilespmem:v11+s15+$0x0], $0xffff  }
0x7e: {  	v11 =	vadd.s32 $0x1000, v0;
	v13 =	vld.idx.msk [tilespmem:v13+s15+$0x0], $0xffff;
	[tilespmem:s31+$0xA900] =	vst v6  }
0x7f: {  	v12 =	vadd.s32 $0x1280, v4;
	[tilespmem:s2+$0x6900] =	vst v15;
	v6 =	vld.idx.msk [tilespmem:v14+s15+$0x0], $0xffff  }
0x80: {  	[tilespmem:s2+$0x6910] =	vst v9;
	v14 =	vld.idx.msk [tilespmem:v16+s15+$0x0], $0xffff  }
0x81: {  	v16 =	vadd.s32 $0x1000, v5;
	v7 =	vld.idx.msk [tilespmem:v7+s15+$0x0], $0xffff  }
0x82: {  	v17 =	vadd.s32 $0x200, v8;
	[tilespmem:s0+$0x6B90] =	vst v2;
	v2 =	vld [tilespmem:s24+$0x10]  }
0x83: {  	v9 =	vld.idx.msk [tilespmem:v11+s15+$0x0], $0xffff;
	[tilespmem:s31+$0xAA10] =	vst v10;
	v10 =	vadd.s32 $0x200, v1  }
0x84: {  	[tilespmem:s0+$0x6B80] =	vst v13;
	v11 =	vld.idx.msk [tilespmem:v12+s15+$0x0], $0xffff;
	v12 =	vadd.s32 $0x1080, v0  }
0x85: {  	v15 =	vadd.s32 $0x1300, v4;
	[tilespmem:s2+$0x6980] =	vst v14  }
0x86: {  	v13 =	vld.idx.msk [tilespmem:v16+s15+$0x0], $0xffff;
	[tilespmem:s31+$0xA980] =	vst v6  }
0x87: {  	[tilespmem:s2+$0x6990] =	vst v7;
	v6 =	vld.idx.msk [tilespmem:v17+s15+$0x0], $0xffff  }
0x88: {  	v7 =	vadd.s32 $0x1200, v3;
	v10 =	vld.idx.msk [tilespmem:v10+s15+$0x0], $0xffff;
	[tilespmem:s0+$0xA810] =	vst v9  }
0x89: {  	v9 =	vld.idx.msk [tilespmem:v12+s15+$0x0], $0xffff;
	[tilespmem:s31+$0xAA90] =	vst v11;
	v11 =	vadd.s32 $0x280, v1  }
0x8a: {  	v14 =	vadd.s32 $0x1100, v0;
	v12 =	vld.idx.msk [tilespmem:v15+s15+$0x0], $0xffff  }
0x8b: {  	v15 =	vadd.s32 $0x280, v8;
	v16 =	vld.idx.msk [tilespmem:v2+s15+$0x0], $0xffff  }
0x8c: {  	s25 =	simm.s32 $0x0;
	v4 =	vadd.s32 $0x1380, v4;
	[tilespmem:s0+$0xA800] =	vst v13;
	v13 =	vld.idx.msk [tilespmem:v29+s15+$0x0], $0xffff  }
0x8d: {  	s6 =	smul.u32 $0xE00, s25;
	v7 =	vld.idx.msk [tilespmem:v7+s15+$0x0], $0xffff;
	[tilespmem:s2+$0x6A10] =	vst v10;
	v10 =	vadd.s32 $0x1080, v5  }
0x8e: {  	v17 =	vadd.s32 $0x1280, v3;
	v11 =	vld.idx.msk [tilespmem:v11+s15+$0x0], $0xffff;
	[tilespmem:s0+$0xA890] =	vst v9  }
0x8f: {  	s6 =	sshra.s32 s6, $0x2;
	[tilespmem:s2+$0x6A00] =	vst v6;
	v9 =	vadd.s32 $0x80, v2;
	v14 =	vld.idx.msk [tilespmem:v14+s15+$0x0], $0xffff  }
0x90: {  	s6 =	sadd.s32 $0x60, s6;
	[tilespmem:s31+$0xAB10] =	vst v12;
	v12 =	vadd.s32 $0x300, v1;
	v15 =	vld.idx.msk [tilespmem:v15+s15+$0x0], $0xffff  }
0x91: {  	v6 =	vadd.s32 $0x1180, v0;
	[tilespmem:s6+$0x6810] =	vst v16;
	v4 =	vld.idx.msk [tilespmem:v4+s15+$0x0], $0xffff  }
0x92: {  	v16 =	vadd.s32 $0x300, v8;
	[tilespmem:s31+$0xAA00] =	vst v7;
	v10 =	vld.idx.msk [tilespmem:v10+s15+$0x0], $0xffff  }
0x93: {  	[tilespmem:s6+$0x6800] =	vst v13;
	v7 =	vadd.s32 $0x80, v29;
	v17 =	vld.idx.msk [tilespmem:v17+s15+$0x0], $0xffff  }
0x94: {  	v9 =	vld.idx.msk [tilespmem:v9+s15+$0x0], $0xffff;
	[tilespmem:s2+$0x6A90] =	vst v11;
	v11 =	vadd.s32 $0x1100, v5  }
0x95: {  	v20 =	vadd.s32 $0x1300, v3;
	v12 =	vld.idx.msk [tilespmem:v12+s15+$0x0], $0xffff;
	[tilespmem:s0+$0xA910] =	vst v14  }
0x96: {  	v14 =	vadd.s32 $0x100, v2;
	[tilespmem:s2+$0x6A80] =	vst v15;
	v18 =	vld.idx.msk [tilespmem:v6+s15+$0x0], $0xffff  }
0x97: {  	v13 =	vadd.s32 $0x380, v1;
	[tilespmem:s31+$0xAB90] =	vst v4;
	v21 =	vld.idx.msk [tilespmem:v16+s15+$0x0], $0xffff  }
0x98: {  	v15 =	vadd.s32 $0x1200, v0;
	v7 =	vld.idx.msk [tilespmem:v7+s15+$0x0], $0xffff;
	[tilespmem:s0+$0xA880] =	vst v10  }
0x99: {  	v23 =	vadd.s32 $0x380, v8;
	[tilespmem:s31+$0xAA80] =	vst v17;
	v11 =	vld.idx.msk [tilespmem:v11+s15+$0x0], $0xffff  }
0x9a: {  	v36 =	vadd.s32 $0x1380, v3;
	v27 =	vadd.s32 $0x180, v29;
	v10 =	vadd.s32 $0x100, v29;
	[tilespmem:s6+$0x6890] =	vst v9;
	v33 =	vld.idx.msk [tilespmem:v20+s15+$0x0], $0xffff  }
0x9b: {  	v26 =	vadd.s32 $0x200, v29;
	v24 =	vadd.s32 $0x280, v29;
	v22 =	vadd.s32 $0x1180, v5;
	v25 =	vld.idx.msk [tilespmem:v14+s15+$0x0], $0xffff;
	[tilespmem:s2+$0x6B10] =	vst v12  }
0x9c: {  	v35 =	vadd.s32 $0x1280, v0;
	v19 =	vadd.s32 $0x1000, v8;
	v12 =	vld.idx.msk [tilespmem:v13+s15+$0x0], $0xffff;
	[tilespmem:s0+$0xA990] =	vst v18;
	v18 =	vadd.s32 $0x180, v2  }
0x9d: {  	v32 =	vadd.s32 $0x1000, v1;
	v3 =	vadd.s32 $0x1380, v5;
	v6 =	vadd.s32 $0x1280, v5;
	[tilespmem:s2+$0x6B00] =	vst v21;
	v30 =	vld.idx.msk [tilespmem:v15+s15+$0x0], $0xffff  }
0x9e: {  	v4 =	vadd.s32 $0x1300, v5;
	v16 =	vadd.s32 $0x1080, v8;
	v17 =	vadd.s32 $0x1180, v29;
	[tilespmem:s6+$0x6880] =	vst v7;
	v31 =	vld.idx.msk [tilespmem:v23+s15+$0x0], $0xffff  }
0x9f: {  	v9 =	vadd.s32 $0x1200, v5;
	v5 =	vadd.s32 $0x1380, v8;
	v20 =	vadd.s32 $0x1100, v29;
	v37 =	vld.idx.msk [tilespmem:v10+s15+$0x0], $0xffff;
	[tilespmem:s0+$0xA900] =	vst v11  }
0xa0: {  	v14 =	vadd.s32 $0x1180, v8;
	v13 =	vadd.s32 $0x1200, v8;
	v21 =	vadd.s32 $0x1080, v29;
	[tilespmem:s6+$0x6910] =	vst v25;
	v28 =	vld.idx.msk [tilespmem:v22+s15+$0x0], $0xffff  }
0xa1: {  	v15 =	vadd.s32 $0x1100, v8;
	v7 =	vadd.s32 $0x1300, v8;
	v23 =	vadd.s32 $0x300, v29;
	v34 =	vld.idx.msk [tilespmem:v18+s15+$0x0], $0xffff;
	[tilespmem:s2+$0x6B90] =	vst v12  }
0xa2: {  	v10 =	vadd.s32 $0x1280, v8;
	v8 =	vadd.s32 $0x1380, v29;
	v11 =	vadd.s32 $0x1300, v29;
	v32 =	vld.idx.msk [tilespmem:v32+s15+$0x0], $0xffff;
	[tilespmem:s0+$0xAA10] =	vst v30  }
0xa3: {  	s14 =	simm.s32 $0x200;
	[tilespmem:s31+$0xAB00] =	vst v33;
	v33 =	vadd.s32 $0x1080, v1;
	v22 =	vadd.s32 $0x380, v29;
	v30 =	vld.idx.msk [tilespmem:v35+s15+$0x0], $0xffff;
	v35 =	vadd.s32 $0x200, v2  }
0xa4: {  	s8 =	sor.u32 s5, s30;
	s7 =	simm.s32 $0x6;
	s13 =	simm.s32 $0x6;
	v25 =	vadd.s32 $0x1000, v29;
	v18 =	vadd.s32 $0x1200, v29;
	v12 =	vadd.s32 $0x1280, v29;
	v29 =	vld.idx.msk [tilespmem:v36+s15+$0x0], $0xffff;
	[tilespmem:s6+$0x6900] =	vst v37  }
.LBB2_3:
0xa5: {  	s24 =	sshra.s32 s14, $0x2;
	s13 =	sadd.s32 $0x2, s13;
	v27 =	vld.idx.msk [tilespmem:v27+s15+$0x0], $0xffff;
	[tilespmem:s2+$0x6B80] =	vst v31;
	v31 =	vadd.s32 $0x1300, v0  }
0xa6: {  	v36 =	vld [tilespmem:s24+$0x10];
	p4 =	slt.u32 s13, $0x7E;
	[tilespmem:s0+$0xA980] =	vst v28  }
0xa7: {  	v28 =	vld [tilespmem:s24+$0x0];
	[tilespmem:s6+$0x6990] =	vst v34  }
0xa8: {  	v34 =	vld.idx.msk [tilespmem:v35+s15+$0x0], $0xffff;
	[tilespmem:s2+$0xA810] =	vst v32  }
0xa9: {  	v32 =	vld.idx.msk [tilespmem:v33+s15+$0x0], $0xffff;
	[tilespmem:s0+$0xAA90] =	vst v30  }
0xaa: {  	v30 =	vadd.s32 $0x280, v2;
	v31 =	vld.idx.msk [tilespmem:v31+s15+$0x0], $0xffff;
	[tilespmem:s31+$0xAB80] =	vst v29;
	s31 =	smov.u32 s0;
	s0 =	smov.u32 s2;
	s2 =	smov.u32 s6  }
0xab: {  	v33 =	vadd.s32 $0x1100, v1;
	[tilespmem:s2+$0x6980] =	vst v27;
	v29 =	vld.idx.msk [tilespmem:v19+s15+$0x0], $0xffff;
	v19 =	vmov v25  }
0xac: {  	v39 =	vadd.s32 $0x1380, v0;
	v0 =	vmovc v1;
	v1 =	vmovc v2;
	v35 =	vadd.s32 $0x80, v28;
	v37 =	vadd.s32 $0x100, v28;
	v38 =	vld.idx.msk [tilespmem:v26+s15+$0x0], $0xffff  }
0xad: {  	v2 =	vmovc v36;
	v27 =	vadd.s32 $0x180, v28;
	v26 =	vadd.s32 $0x200, v28;
	v40 =	vadd.s32 $0x280, v28;
	v41 =	vld.idx.msk [tilespmem:v9+s15+$0x0], $0xffff;
	v9 =	vmovc v13  }
0xae: {  	s7 =	sadd.s32 $0x2, s7;
	v42 =	vadd.s32 $0x300, v28;
	v43 =	vadd.s32 $0x380, v28;
	v25 =	vadd.s32 $0x1000, v28;
	v13 =	vmovc v18;
	v36 =	vld.idx.msk [tilespmem:v36+s15+$0x0], $0xffff;
	[tilespmem:s2+$0x6A10] =	vst v34  }
0xaf: {  	s6 =	sshrl.u32 s7, $0x3;
	v44 =	vadd.s32 $0x1100, v28;
	v45 =	vadd.s32 $0x1180, v28;
	v34 =	vadd.s32 $0x1080, v28;
	v30 =	vld.idx.msk [tilespmem:v30+s15+$0x0], $0xffff;
	[tilespmem:s0+$0xA890] =	vst v32  }
0xb0: {  	s6 =	smul.u32 $0xE00, s6;
	v46 =	vadd.s32 $0x80, v2;
	v18 =	vadd.s32 $0x1200, v28;
	v32 =	vadd.s32 $0x1280, v28;
	v33 =	vld.idx.msk [tilespmem:v33+s15+$0x0], $0xffff;
	[tilespmem:s31+$0xAB10] =	vst v31  }
0xb1: {  	v48 =	vadd.s32 $0x300, v1;
	v47 =	vadd.s32 $0x1380, v28;
	v31 =	vadd.s32 $0x1300, v28;
	[tilespmem:s0+$0xA800] =	vst v29;
	v29 =	vld.idx.msk [tilespmem:v39+s15+$0x0], $0xffff  }
0xb2: {  	s6 =	sshra.s32 s6, $0x2;
	v28 =	vld.idx.msk [tilespmem:v28+s15+$0x0], $0xffff;
	[tilespmem:s2+$0x6A00] =	vst v38;
	v38 =	vadd.s32 $0x1180, v0  }
0xb3: {  	s6 =	sadd.s32 s24, s6;
	v39 =	vld.idx.msk [tilespmem:v24+s15+$0x0], $0xffff;
	[tilespmem:s31+$0xAA00] =	vst v41;
	v24 =	vmov v40  }
0xb4: {  	[tilespmem:s6+$0x6810] =	vst v36;
	v36 =	vld.idx.msk [tilespmem:v16+s15+$0x0], $0xffff;
	v16 =	vmov v21;
	v21 =	vmov v34  }
0xb5: {  	v34 =	vld.idx.msk [tilespmem:v46+s15+$0x0], $0xffff;
	[tilespmem:s2+$0x6A90] =	vst v30  }
0xb6: {  	v30 =	vld.idx.msk [tilespmem:v48+s15+$0x0], $0xffff;
	[tilespmem:s0+$0xA910] =	vst v33  }
0xb7: {  	v33 =	vadd.s32 $0x100, v2;
	v38 =	vld.idx.msk [tilespmem:v38+s15+$0x0], $0xffff;
	[tilespmem:s31+$0xAB90] =	vst v29  }
0xb8: {  	[tilespmem:s6+$0x6800] =	vst v28;
	v28 =	vadd.s32 $0x380, v1;
	v29 =	vld.idx.msk [tilespmem:v6+s15+$0x0], $0xffff;
	v6 =	vmovc v10;
	v10 =	vmov v12;
	v12 =	vmov v32  }
0xb9: {  	v32 =	vld.idx.msk [tilespmem:v35+s15+$0x0], $0xffff;
	[tilespmem:s2+$0x6A80] =	vst v39;
	v35 =	vadd.s32 $0x1200, v0  }
0xba: {  	v39 =	vld.idx.msk [tilespmem:v23+s15+$0x0], $0xffff;
	[tilespmem:s0+$0xA880] =	vst v36;
	v23 =	vmov v42  }
0xbb: {  	[tilespmem:s6+$0x6890] =	vst v34;
	v34 =	vld.idx.msk [tilespmem:v15+s15+$0x0], $0xffff;
	v15 =	vmov v20;
	v20 =	vmov v44  }
0xbc: {  	v33 =	vld.idx.msk [tilespmem:v33+s15+$0x0], $0xffff;
	[tilespmem:s2+$0x6B10] =	vst v30  }
0xbd: {  	v30 =	vld.idx.msk [tilespmem:v28+s15+$0x0], $0xffff;
	[tilespmem:s0+$0xA990] =	vst v38  }
0xbe: {  	v36 =	vadd.s32 $0x180, v2;
	v35 =	vld.idx.msk [tilespmem:v35+s15+$0x0], $0xffff;
	[tilespmem:s31+$0xAA80] =	vst v29  }
0xbf: {  	v29 =	vadd.s32 $0x1000, v1;
	[tilespmem:s6+$0x6880] =	vst v32;
	v38 =	vld.idx.msk [tilespmem:v4+s15+$0x0], $0xffff;
	v4 =	vmovc v7;
	v7 =	vmov v11;
	v11 =	vmov v31  }
0xc0: {  	v37 =	vld.idx.msk [tilespmem:v37+s15+$0x0], $0xffff;
	[tilespmem:s2+$0x6B00] =	vst v39;
	v39 =	vadd.s32 $0x1280, v0  }
0xc1: {  	v31 =	vld.idx.msk [tilespmem:v22+s15+$0x0], $0xffff;
	[tilespmem:s0+$0xA900] =	vst v34;
	v22 =	vmov v43  }
.Ltmp4:
0xc2: {  	[tilespmem:s6+$0x6910] =	vst v33;
	v28 =	vld.idx.msk [tilespmem:v14+s15+$0x0], $0xffff;
	v14 =	vmov v17;
	v17 =	vmov v45;
	(pc) =	sbr.rel @p4 .LBB2_3-.Ltmp4, $4  }
0xc3: {  	v34 =	vld.idx.msk [tilespmem:v36+s15+$0x0], $0xffff;
	[tilespmem:s2+$0x6B90] =	vst v30  }
0xc4: {  	v32 =	vld.idx.msk [tilespmem:v29+s15+$0x0], $0xffff;
	[tilespmem:s0+$0xAA10] =	vst v35  }
0xc5: {  	v35 =	vadd.s32 $0x200, v2;
	v30 =	vld.idx.msk [tilespmem:v39+s15+$0x0], $0xffff;
	[tilespmem:s31+$0xAB00] =	vst v38  }
0xc6: {  	s14 =	sadd.s32 $0x80, s14;
	v33 =	vadd.s32 $0x1080, v1;
	[tilespmem:s6+$0x6900] =	vst v37;
	v29 =	vld.idx.msk [tilespmem:v3+s15+$0x0], $0xffff;
	v3 =	vmovc v5;
	v5 =	vmov v8;
	v8 =	vmov v47  }
0xc7: {  	_ =	sdelay $0x3  }
0xc8: {  	v27 =	vld.idx.msk [tilespmem:v27+s15+$0x0], $0xffff;
	_ =	sdelay $0x3  }
0xc9: {  	[tilespmem:s6+$0x6990] =	vst v34  }
0xca: {  	v34 =	vld.idx.msk [tilespmem:v35+s15+$0x0], $0xffff;
	[tilespmem:s6+$0x6980] =	vst v27  }
0xcb: {  	v35 =	vadd.s32 $0x280, v2;
	v26 =	vld.idx.msk [tilespmem:v26+s15+$0x0], $0xffff;
	_ =	sdelay $0x3  }
0xcc: {  	[tilespmem:s6+$0x6A10] =	vst v34  }
0xcd: {  	v27 =	vld.idx.msk [tilespmem:v35+s15+$0x0], $0xffff;
	[tilespmem:s6+$0x6A00] =	vst v26  }
0xce: {  	v36 =	vadd.s32 $0x300, v2;
	v24 =	vld.idx.msk [tilespmem:v24+s15+$0x0], $0xffff;
	_ =	sdelay $0x3  }
0xcf: {  	[tilespmem:s6+$0x6A90] =	vst v27  }
0xd0: {  	v26 =	vld.idx.msk [tilespmem:v36+s15+$0x0], $0xffff;
	[tilespmem:s6+$0x6A80] =	vst v24  }
0xd1: {  	v37 =	vadd.s32 $0x380, v2;
	v23 =	vld.idx.msk [tilespmem:v23+s15+$0x0], $0xffff;
	_ =	sdelay $0x3  }
0xd2: {  	[tilespmem:s6+$0x6B10] =	vst v26  }
0xd3: {  	v24 =	vld.idx.msk [tilespmem:v37+s15+$0x0], $0xffff;
	[tilespmem:s6+$0x6B00] =	vst v23  }
0xd4: {  	v38 =	vadd.s32 $0x1000, v2;
	v22 =	vld.idx.msk [tilespmem:v22+s15+$0x0], $0xffff;
	_ =	sdelay $0x2  }
0xd5: {  	[tilespmem:s2+$0x6B80] =	vst v31  }
0xd6: {  	v19 =	vld.idx.msk [tilespmem:v19+s15+$0x0], $0xffff;
	[tilespmem:s6+$0x6B90] =	vst v24  }
0xd7: {  	v23 =	vld.idx.msk [tilespmem:v38+s15+$0x0], $0xffff;
	[tilespmem:s6+$0x6B80] =	vst v22  }
0xd8: {  	v39 =	vadd.s32 $0x1080, v2;
	v40 =	vld.idx.msk [tilespmem:v25+s15+$0x0], $0xffff;
	_ =	sdelay $0x1  }
0xd9: {  	[tilespmem:s2+$0xA810] =	vst v32  }
0xda: {  	v41 =	vld.idx.msk [tilespmem:v33+s15+$0x0], $0xffff;
	[tilespmem:s2+$0xA800] =	vst v19  }
0xdb: {  	v42 =	vadd.s32 $0x1100, v1;
	v16 =	vld.idx.msk [tilespmem:v16+s15+$0x0], $0xffff;
	[tilespmem:s6+$0xA810] =	vst v23  }
0xdc: {  	v22 =	vld.idx.msk [tilespmem:v39+s15+$0x0], $0xffff;
	[tilespmem:s6+$0xA800] =	vst v40  }
0xdd: {  	v43 =	vadd.s32 $0x1100, v2;
	v21 =	vld.idx.msk [tilespmem:v21+s15+$0x0], $0xffff;
	_ =	sdelay $0x1  }
0xde: {  	[tilespmem:s2+$0xA890] =	vst v41  }
0xdf: {  	v19 =	vld.idx.msk [tilespmem:v42+s15+$0x0], $0xffff;
	[tilespmem:s2+$0xA880] =	vst v16  }
0xe0: {  	v44 =	vadd.s32 $0x1180, v1;
	v15 =	vld.idx.msk [tilespmem:v15+s15+$0x0], $0xffff;
	[tilespmem:s6+$0xA890] =	vst v22  }
0xe1: {  	v22 =	vld.idx.msk [tilespmem:v43+s15+$0x0], $0xffff;
	[tilespmem:s6+$0xA880] =	vst v21  }
0xe2: {  	v45 =	vadd.s32 $0x1180, v2;
	v20 =	vld.idx.msk [tilespmem:v20+s15+$0x0], $0xffff;
	_ =	sdelay $0x1  }
0xe3: {  	[tilespmem:s2+$0xA910] =	vst v19  }
0xe4: {  	v16 =	vld.idx.msk [tilespmem:v44+s15+$0x0], $0xffff;
	[tilespmem:s2+$0xA900] =	vst v15  }
0xe5: {  	v46 =	vadd.s32 $0x1200, v1;
	v14 =	vld.idx.msk [tilespmem:v14+s15+$0x0], $0xffff;
	[tilespmem:s6+$0xA910] =	vst v22  }
0xe6: {  	v47 =	vld.idx.msk [tilespmem:v45+s15+$0x0], $0xffff;
	[tilespmem:s6+$0xA900] =	vst v20  }
0xe7: {  	v48 =	vadd.s32 $0x1200, v2;
	v17 =	vld.idx.msk [tilespmem:v17+s15+$0x0], $0xffff  }
0xe8: {  	[tilespmem:s0+$0xA980] =	vst v28  }
0xe9: {  	v9 =	vld.idx.msk [tilespmem:v9+s15+$0x0], $0xffff;
	[tilespmem:s2+$0xA990] =	vst v16  }
0xea: {  	v15 =	vld.idx.msk [tilespmem:v46+s15+$0x0], $0xffff;
	[tilespmem:s2+$0xA980] =	vst v14  }
0xeb: {  	v49 =	vadd.s32 $0x1280, v1;
	v13 =	vld.idx.msk [tilespmem:v13+s15+$0x0], $0xffff;
	[tilespmem:s6+$0xA990] =	vst v47  }
0xec: {  	v50 =	vld.idx.msk [tilespmem:v48+s15+$0x0], $0xffff;
	[tilespmem:s6+$0xA980] =	vst v17  }
0xed: {  	v51 =	vadd.s32 $0x1280, v2;
	[tilespmem:s0+$0xAA90] =	vst v30;
	v18 =	vld.idx.msk [tilespmem:v18+s15+$0x0], $0xffff  }
0xee: {  	[tilespmem:s0+$0xAA00] =	vst v9  }
0xef: {  	v52 =	vadd.s32 $0x1300, v0;
	v6 =	vld.idx.msk [tilespmem:v6+s15+$0x0], $0xffff;
	[tilespmem:s2+$0xAA10] =	vst v15  }
0xf0: {  	v14 =	vld.idx.msk [tilespmem:v49+s15+$0x0], $0xffff;
	[tilespmem:s2+$0xAA00] =	vst v13  }
0xf1: {  	v53 =	vadd.s32 $0x1300, v1;
	v10 =	vld.idx.msk [tilespmem:v10+s15+$0x0], $0xffff;
	[tilespmem:s6+$0xAA10] =	vst v50  }
0xf2: {  	v54 =	vld.idx.msk [tilespmem:v51+s15+$0x0], $0xffff;
	[tilespmem:s6+$0xAA00] =	vst v18  }
0xf3: {  	v55 =	vadd.s32 $0x1300, v2;
	[tilespmem:s31+$0xAB80] =	vst v29;
	v12 =	vld.idx.msk [tilespmem:v12+s15+$0x0], $0xffff  }
0xf4: {  	v9 =	vld.idx.msk [tilespmem:v52+s15+$0x0], $0xffff;
	[tilespmem:s0+$0xAA80] =	vst v6  }
0xf5: {  	v56 =	vadd.s32 $0x1380, v0;
	v4 =	vld.idx.msk [tilespmem:v4+s15+$0x0], $0xffff;
	[tilespmem:s2+$0xAA90] =	vst v14  }
0xf6: {  	v57 =	vld.idx.msk [tilespmem:v53+s15+$0x0], $0xffff;
	[tilespmem:s2+$0xAA80] =	vst v10  }
0xf7: {  	v58 =	vadd.s32 $0x1380, v1;
	v7 =	vld.idx.msk [tilespmem:v7+s15+$0x0], $0xffff;
	[tilespmem:s6+$0xAA90] =	vst v54  }
0xf8: {  	v59 =	vld.idx.msk [tilespmem:v55+s15+$0x0], $0xffff;
	[tilespmem:s6+$0xAA80] =	vst v12  }
0xf9: {  	v60 =	vadd.s32 $0x1380, v2;
	[tilespmem:s0+$0xAB10] =	vst v9;
	v61 =	vld.idx.msk [tilespmem:v11+s15+$0x0], $0xffff  }
0xfa: {  	v0 =	vld.idx.msk [tilespmem:v56+s15+$0x0], $0xffff;
	[tilespmem:s0+$0xAB00] =	vst v4  }
0xfb: {  	v3 =	vld.idx.msk [tilespmem:v3+s15+$0x0], $0xffff;
	[tilespmem:s2+$0xAB10] =	vst v57  }
0xfc: {  	v1 =	vld.idx.msk [tilespmem:v58+s15+$0x0], $0xffff;
	[tilespmem:s2+$0xAB00] =	vst v7  }
0xfd: {  	v62 =	vld.idx.msk [tilespmem:v5+s15+$0x0], $0xffff;
	[tilespmem:s6+$0xAB10] =	vst v59  }
0xfe: {  	v2 =	vld.idx.msk [tilespmem:v60+s15+$0x0], $0xffff;
	[tilespmem:s6+$0xAB00] =	vst v61  }
0xff: {  	s31 =	sadd.s32 s10, s30;
	[tilespmem:s0+$0xAB90] =	vst v0;
	v63 =	vld.idx.msk [tilespmem:v8+s15+$0x0], $0xffff  }
0x100: {  	p4 =	sgt.u32 s31, $0xC34;
	[tilespmem:s0+$0xAB80] =	vst v3  }
.Ltmp5:
0x101: {  	[tilespmem:s2+$0xAB90] =	vst v1;
	(pc) =	sbr.rel @p4 .LBB2_8-.Ltmp5, $4  }
0x102: {  	[tilespmem:s2+$0xAB80] =	vst v62  }
0x103: {  	s25 =	sshll.u32 s8, $0xC;
	[tilespmem:s6+$0xAB90] =	vst v2  }
0x104: {  	s0 =	sadd.s32 s3, s25;
	[tilespmem:s6+$0xAB80] =	vst v63  }
0x105: {  	[hbm4b:s0+s4] =	stream.linear.scatter [tilespmem:s18], [sflag:$0x4], $0x8000, $0x38;
	[tilespmem:$0x1E800] =	vst v63  }
0x106: {  	_ =	swait.ge [sflag:s19], $0x2000  }
0x107: {  	[sflag:s19] =	ssyncset.done $0x0  }
0x108: {  	s0 =	simm.s32 @!p2 $0x5;
	[sflag:s19] =	ssyncadd.s32 $0xFFFFE000  }
0x109: {  	s2 =	sadd.s32 s11, s30;
	_ =	swait.ge @!p2 [sflag:s0], $0x8000  }
0x10a: {  	p4 =	sgt.u32 s2, $0xC34;
	[sflag:s0] =	ssyncset.done @!p2 $0x0  }
0x10b: {  	s25 =	simm.s32 $0x0;
	[sflag:s0] =	ssyncadd.s32 @!p2 $0xFFFF8000;
	s0 =	sshll.u32 @!p4 s2, $0xA  }
0x10c: {  	s6 =	simm.s32 @!p4 $0x800;
	s2 =	simm.s32 @!p4 $0x0;
	s0 =	sadd.s32 @!p4 s1, s0  }
0x10d: {  	[tilespmem:s6], [sflag:$0x1] =	stream.linear.gather @!p4 [hbm4b:s0+s2], $0x2000, $0x38;
	[tilespmem:$0x1E800] =	vst v63  }
0x10e: {  	v4 =	vld [tilespmem:s25+$0x10];
	_ =	sdelay $0x3  }
0x10f: {  	v3 =	vld [tilespmem:s25+$0x0];
	_ =	sdelay $0x3  }
0x110: {  	s2 =	simm.s32 $0x0;
	v0 =	vld.idx.msk [tilespmem:v4+s16+$0x0], $0xffff  }
0x111: {  	s0 =	smul.u32 $0xE00, s2;
	v1 =	vadd.s32 $0x80, v4;
	_ =	sdelay $0x1  }
0x112: {  	s0 =	sshra.s32 s0, $0x2  }
0x113: {  	s6 =	sadd.s32 $0x0, s0;
	v2 =	vld.idx.msk [tilespmem:v3+s16+$0x0], $0xffff  }
0x114: {  	v5 =	vadd.s32 $0x80, v3;
	[tilespmem:s6+$0xE810] =	vst v0  }
0x115: {  	v0 =	vld.idx.msk [tilespmem:v1+s16+$0x0], $0xffff  }
0x116: {  	v1 =	vadd.s32 $0x100, v4;
	_ =	sdelay $0x1  }
0x117: {  	[tilespmem:s6+$0xE800] =	vst v2  }
0x118: {  	v2 =	vld.idx.msk [tilespmem:v5+s16+$0x0], $0xffff  }
0x119: {  	v5 =	vadd.s32 $0x100, v3;
	[tilespmem:s6+$0xE890] =	vst v0  }
0x11a: {  	v0 =	vld.idx.msk [tilespmem:v1+s16+$0x0], $0xffff  }
0x11b: {  	v1 =	vadd.s32 $0x180, v4;
	_ =	sdelay $0x1  }
0x11c: {  	[tilespmem:s6+$0xE880] =	vst v2  }
0x11d: {  	v6 =	vld.idx.msk [tilespmem:v5+s16+$0x0], $0xffff  }
0x11e: {  	v7 =	vadd.s32 $0x180, v3;
	[tilespmem:s6+$0xE910] =	vst v0  }
0x11f: {  	v1 =	vld.idx.msk [tilespmem:v1+s16+$0x0], $0xffff  }
0x120: {  	v2 =	vadd.s32 $0x200, v4  }
0x121: {  	s7 =	simm.s32 $0x20  }
0x122: {  	v0 =	vld [tilespmem:s7+$0x10];
	[tilespmem:s6+$0xE900] =	vst v6  }
0x123: {  	v6 =	vld.idx.msk [tilespmem:v7+s16+$0x0], $0xffff  }
0x124: {  	v7 =	vadd.s32 $0x200, v3;
	[tilespmem:s6+$0xE990] =	vst v1  }
0x125: {  	v1 =	vld.idx.msk [tilespmem:v2+s16+$0x0], $0xffff  }
0x126: {  	v5 =	vld [tilespmem:s7+$0x0];
	v2 =	vadd.s32 $0x280, v4;
	_ =	sdelay $0x1  }
0x127: {  	[tilespmem:s6+$0xE980] =	vst v6  }
0x128: {  	v7 =	vld.idx.msk [tilespmem:v7+s16+$0x0], $0xffff  }
0x129: {  	s8 =	simm.s32 $0x0;
	v11 =	vadd.s32 $0x280, v3;
	v8 =	vld.idx.msk [tilespmem:v0+s16+$0x0], $0xffff;
	[tilespmem:s6+$0xEA10] =	vst v1  }
0x12a: {  	s0 =	smul.u32 $0xE00, s8;
	v1 =	vld.idx.msk [tilespmem:v2+s16+$0x0], $0xffff;
	v2 =	vadd.s32 $0x80, v0;
	_ =	sdelay $0x1  }
0x12b: {  	v9 =	vadd.s32 $0x300, v4;
	s0 =	sshra.s32 s0, $0x2  }
0x12c: {  	s7 =	sadd.s32 $0x20, s0;
	v10 =	vld.idx.msk [tilespmem:v5+s16+$0x0], $0xffff;
	[tilespmem:s6+$0xEA00] =	vst v7  }
0x12d: {  	v6 =	vadd.s32 $0x80, v5;
	[tilespmem:s7+$0xE810] =	vst v8;
	v7 =	vld.idx.msk [tilespmem:v11+s16+$0x0], $0xffff  }
0x12e: {  	v11 =	vadd.s32 $0x300, v3;
	v2 =	vld.idx.msk [tilespmem:v2+s16+$0x0], $0xffff  }
0x12f: {  	v8 =	vadd.s32 $0x100, v0;
	[tilespmem:s6+$0xEA90] =	vst v1  }
0x130: {  	v1 =	vld.idx.msk [tilespmem:v9+s16+$0x0], $0xffff  }
0x131: {  	[tilespmem:s7+$0xE800] =	vst v10;
	v9 =	vadd.s32 $0x380, v4  }
0x132: {  	v6 =	vld.idx.msk [tilespmem:v6+s16+$0x0], $0xffff;
	[tilespmem:s6+$0xEA80] =	vst v7  }
0x133: {  	v10 =	vadd.s32 $0x100, v5;
	v7 =	vld.idx.msk [tilespmem:v11+s16+$0x0], $0xffff;
	[tilespmem:s7+$0xE890] =	vst v2  }
0x134: {  	v11 =	vadd.s32 $0x380, v3;
	v2 =	vld.idx.msk [tilespmem:v8+s16+$0x0], $0xffff  }
0x135: {  	[tilespmem:s6+$0xEB10] =	vst v1;
	v8 =	vadd.s32 $0x180, v0  }
0x136: {  	v1 =	vld.idx.msk [tilespmem:v9+s16+$0x0], $0xffff  }
0x137: {  	[tilespmem:s7+$0xE880] =	vst v6;
	v6 =	vadd.s32 $0x1000, v4  }
0x138: {  	[tilespmem:s6+$0xEB00] =	vst v7;
	v9 =	vld.idx.msk [tilespmem:v10+s16+$0x0], $0xffff  }
0x139: {  	v10 =	vadd.s32 $0x180, v5;
	v11 =	vld.idx.msk [tilespmem:v11+s16+$0x0], $0xffff;
	[tilespmem:s7+$0xE910] =	vst v2  }
0x13a: {  	s13 =	simm.s32 $0x40;
	v2 =	vld.idx.msk [tilespmem:v8+s16+$0x0], $0xffff  }
0x13b: {  	v12 =	vadd.s32 $0x200, v0;
	[tilespmem:s6+$0xEB90] =	vst v1;
	v1 =	vld [tilespmem:s13+$0x10]  }
0x13c: {  	v13 =	vadd.s32 $0x1000, v3;
	v6 =	vld.idx.msk [tilespmem:v6+s16+$0x0], $0xffff  }
0x13d: {  	[tilespmem:s7+$0xE900] =	vst v9;
	v9 =	vadd.s32 $0x1080, v4;
	v8 =	vld [tilespmem:s13+$0x0]  }
0x13e: {  	v10 =	vld.idx.msk [tilespmem:v10+s16+$0x0], $0xffff  }
0x13f: {  	v7 =	vadd.s32 $0x200, v5;
	[tilespmem:s7+$0xE990] =	vst v2  }
0x140: {  	s0 =	sadd.s32 $0xE800, s6;
	[tilespmem:s6+$0xEB80] =	vst v11;
	v2 =	vld.idx.msk [tilespmem:v12+s16+$0x0], $0xffff  }
0x141: {  	[tilespmem:s0+$0x4010] =	vst v6;
	v12 =	vld.idx.msk [tilespmem:v13+s16+$0x0], $0xffff  }
0x142: {  	v6 =	vld.idx.msk [tilespmem:v9+s16+$0x0], $0xffff;
	v9 =	vadd.s32 $0x280, v0  }
0x143: {  	[tilespmem:s7+$0xE980] =	vst v10;
	v13 =	vadd.s32 $0x1080, v3  }
0x144: {  	v10 =	vadd.s32 $0x1100, v4;
	v7 =	vld.idx.msk [tilespmem:v7+s16+$0x0], $0xffff  }
0x145: {  	s14 =	simm.s32 $0x0;
	v11 =	vadd.s32 $0x280, v5;
	v15 =	vld.idx.msk [tilespmem:v8+s16+$0x0], $0xffff;
	[tilespmem:s7+$0xEA10] =	vst v2  }
0x146: {  	s2 =	smul.u32 $0xE00, s14;
	v16 =	vadd.s32 $0x80, v8;
	v14 =	vld.idx.msk [tilespmem:v1+s16+$0x0], $0xffff;
	[tilespmem:s0+$0x4000] =	vst v12  }
0x147: {  	v2 =	vld.idx.msk [tilespmem:v9+s16+$0x0], $0xffff;
	[tilespmem:s0+$0x4090] =	vst v6;
	v6 =	vadd.s32 $0x80, v1  }
0x148: {  	s2 =	sshra.s32 s2, $0x2;
	v13 =	vld.idx.msk [tilespmem:v13+s16+$0x0], $0xffff  }
0x149: {  	s6 =	sadd.s32 $0x40, s2;
	[tilespmem:s7+$0xEA00] =	vst v7;
	v9 =	vld.idx.msk [tilespmem:v10+s16+$0x0], $0xffff;
	v10 =	vadd.s32 $0x300, v0  }
0x14a: {  	v7 =	vadd.s32 $0x1180, v4;
	v11 =	vld.idx.msk [tilespmem:v11+s16+$0x0], $0xffff;
	[tilespmem:s6+$0xE800] =	vst v15  }
0x14b: {  	v12 =	vadd.s32 $0x300, v5;
	[tilespmem:s6+$0xE810] =	vst v14;
	v15 =	vld.idx.msk [tilespmem:v16+s16+$0x0], $0xffff  }
0x14c: {  	s24 =	simm.s32 $0x60;
	v14 =	vadd.s32 $0x1100, v3;
	v6 =	vld.idx.msk [tilespmem:v6+s16+$0x0], $0xffff;
	[tilespmem:s7+$0xEA90] =	vst v2  }
0x14d: {  	v29 =	vld [tilespmem:s24+$0x0];
	v16 =	vadd.s32 $0x100, v8;
	[tilespmem:s0+$0x4080] =	vst v13  }
0x14e: {  	v2 =	vld.idx.msk [tilespmem:v10+s16+$0x0], $0xffff;
	[tilespmem:s0+$0x4110] =	vst v9;
	v9 =	vadd.s32 $0x100, v1  }
0x14f: {  	v10 =	vadd.s32 $0x380, v0;
	[tilespmem:s7+$0xEA80] =	vst v11;
	v7 =	vld.idx.msk [tilespmem:v7+s16+$0x0], $0xffff  }
0x150: {  	v11 =	vadd.s32 $0x1200, v4;
	v12 =	vld.idx.msk [tilespmem:v12+s16+$0x0], $0xffff;
	[tilespmem:s6+$0xE880] =	vst v15  }
0x151: {  	v13 =	vadd.s32 $0x380, v5;
	[tilespmem:s6+$0xE890] =	vst v6;
	v6 =	vld.idx.msk [tilespmem:v14+s16+$0x0], $0xffff  }
0x152: {  	v15 =	vld.idx.msk [tilespmem:v16+s16+$0x0], $0xffff;
	v14 =	vadd.s32 $0x1180, v3  }
0x153: {  	v16 =	vadd.s32 $0x180, v8;
	v9 =	vld.idx.msk [tilespmem:v9+s16+$0x0], $0xffff;
	[tilespmem:s7+$0xEB10] =	vst v2  }
0x154: {  	v2 =	vld.idx.msk [tilespmem:v10+s16+$0x0], $0xffff;
	[tilespmem:s0+$0x4190] =	vst v7;
	v7 =	vadd.s32 $0x180, v1  }
0x155: {  	[tilespmem:s7+$0xEB00] =	vst v12;
	v10 =	vld.idx.msk [tilespmem:v11+s16+$0x0], $0xffff  }
0x156: {  	v11 =	vadd.s32 $0x1000, v0;
	v13 =	vld.idx.msk [tilespmem:v13+s16+$0x0], $0xffff;
	[tilespmem:s0+$0x4100] =	vst v6  }
0x157: {  	v12 =	vadd.s32 $0x1280, v4;
	[tilespmem:s6+$0xE900] =	vst v15;
	v6 =	vld.idx.msk [tilespmem:v14+s16+$0x0], $0xffff  }
0x158: {  	[tilespmem:s6+$0xE910] =	vst v9;
	v14 =	vld.idx.msk [tilespmem:v16+s16+$0x0], $0xffff  }
0x159: {  	v16 =	vadd.s32 $0x1000, v5;
	v7 =	vld.idx.msk [tilespmem:v7+s16+$0x0], $0xffff  }
0x15a: {  	v17 =	vadd.s32 $0x200, v8;
	[tilespmem:s7+$0xEB90] =	vst v2;
	v2 =	vld [tilespmem:s24+$0x10]  }
0x15b: {  	v9 =	vld.idx.msk [tilespmem:v11+s16+$0x0], $0xffff;
	[tilespmem:s0+$0x4210] =	vst v10;
	v10 =	vadd.s32 $0x200, v1  }
0x15c: {  	[tilespmem:s7+$0xEB80] =	vst v13;
	v11 =	vld.idx.msk [tilespmem:v12+s16+$0x0], $0xffff;
	v12 =	vadd.s32 $0x1080, v0  }
0x15d: {  	v15 =	vadd.s32 $0x1300, v4;
	[tilespmem:s6+$0xE980] =	vst v14  }
0x15e: {  	v13 =	vld.idx.msk [tilespmem:v16+s16+$0x0], $0xffff;
	[tilespmem:s0+$0x4180] =	vst v6  }
0x15f: {  	s2 =	sadd.s32 $0xE800, s7;
	[tilespmem:s6+$0xE990] =	vst v7;
	v6 =	vld.idx.msk [tilespmem:v17+s16+$0x0], $0xffff  }
0x160: {  	v7 =	vadd.s32 $0x1200, v3;
	v10 =	vld.idx.msk [tilespmem:v10+s16+$0x0], $0xffff;
	[tilespmem:s2+$0x4010] =	vst v9  }
0x161: {  	v9 =	vld.idx.msk [tilespmem:v12+s16+$0x0], $0xffff;
	[tilespmem:s0+$0x4290] =	vst v11;
	v11 =	vadd.s32 $0x280, v1  }
0x162: {  	v14 =	vadd.s32 $0x1100, v0;
	v12 =	vld.idx.msk [tilespmem:v15+s16+$0x0], $0xffff  }
0x163: {  	s25 =	simm.s32 $0x0;
	v15 =	vadd.s32 $0x280, v8;
	v16 =	vld.idx.msk [tilespmem:v2+s16+$0x0], $0xffff;
	[tilespmem:s2+$0x4000] =	vst v13  }
0x164: {  	v4 =	vadd.s32 $0x1380, v4;
	s7 =	smul.u32 $0xE00, s25;
	v13 =	vld.idx.msk [tilespmem:v29+s16+$0x0], $0xffff;
	[tilespmem:s6+$0xEA00] =	vst v6  }
0x165: {  	v7 =	vld.idx.msk [tilespmem:v7+s16+$0x0], $0xffff;
	[tilespmem:s6+$0xEA10] =	vst v10;
	v10 =	vadd.s32 $0x1080, v5  }
0x166: {  	s7 =	sshra.s32 s7, $0x2;
	v17 =	vadd.s32 $0x1280, v3;
	v11 =	vld.idx.msk [tilespmem:v11+s16+$0x0], $0xffff;
	[tilespmem:s2+$0x4090] =	vst v9  }
0x167: {  	s8 =	sadd.s32 $0x60, s7;
	v9 =	vadd.s32 $0x80, v2;
	v14 =	vld.idx.msk [tilespmem:v14+s16+$0x0], $0xffff;
	[tilespmem:s0+$0x4310] =	vst v12  }
0x168: {  	v12 =	vadd.s32 $0x300, v1;
	v15 =	vld.idx.msk [tilespmem:v15+s16+$0x0], $0xffff;
	[tilespmem:s8+$0xE810] =	vst v16  }
0x169: {  	v6 =	vadd.s32 $0x1180, v0;
	v4 =	vld.idx.msk [tilespmem:v4+s16+$0x0], $0xffff;
	[tilespmem:s8+$0xE800] =	vst v13  }
0x16a: {  	v16 =	vadd.s32 $0x300, v8;
	[tilespmem:s0+$0x4200] =	vst v7;
	v10 =	vld.idx.msk [tilespmem:v10+s16+$0x0], $0xffff  }
0x16b: {  	v7 =	vadd.s32 $0x80, v29;
	v17 =	vld.idx.msk [tilespmem:v17+s16+$0x0], $0xffff;
	[tilespmem:s6+$0xEA90] =	vst v11  }
0x16c: {  	v9 =	vld.idx.msk [tilespmem:v9+s16+$0x0], $0xffff;
	v11 =	vadd.s32 $0x1100, v5;
	[tilespmem:s2+$0x4110] =	vst v14  }
0x16d: {  	v20 =	vadd.s32 $0x1300, v3;
	v12 =	vld.idx.msk [tilespmem:v12+s16+$0x0], $0xffff;
	[tilespmem:s6+$0xEA80] =	vst v15  }
0x16e: {  	v14 =	vadd.s32 $0x100, v2;
	v18 =	vld.idx.msk [tilespmem:v6+s16+$0x0], $0xffff;
	[tilespmem:s0+$0x4390] =	vst v4  }
0x16f: {  	v13 =	vadd.s32 $0x380, v1;
	v21 =	vld.idx.msk [tilespmem:v16+s16+$0x0], $0xffff;
	[tilespmem:s2+$0x4080] =	vst v10  }
0x170: {  	v15 =	vadd.s32 $0x1200, v0;
	v7 =	vld.idx.msk [tilespmem:v7+s16+$0x0], $0xffff;
	[tilespmem:s0+$0x4280] =	vst v17  }
0x171: {  	v23 =	vadd.s32 $0x380, v8;
	[tilespmem:s8+$0xE890] =	vst v9;
	v11 =	vld.idx.msk [tilespmem:v11+s16+$0x0], $0xffff  }
0x172: {  	v36 =	vadd.s32 $0x1380, v3;
	v27 =	vadd.s32 $0x180, v29;
	v10 =	vadd.s32 $0x100, v29;
	v33 =	vld.idx.msk [tilespmem:v20+s16+$0x0], $0xffff;
	[tilespmem:s6+$0xEB10] =	vst v12  }
0x173: {  	v26 =	vadd.s32 $0x200, v29;
	v24 =	vadd.s32 $0x280, v29;
	v22 =	vadd.s32 $0x1180, v5;
	v25 =	vld.idx.msk [tilespmem:v14+s16+$0x0], $0xffff;
	[tilespmem:s2+$0x4190] =	vst v18  }
0x174: {  	v35 =	vadd.s32 $0x1280, v0;
	v19 =	vadd.s32 $0x1000, v8;
	v12 =	vld.idx.msk [tilespmem:v13+s16+$0x0], $0xffff;
	v18 =	vadd.s32 $0x180, v2;
	[tilespmem:s6+$0xEB00] =	vst v21  }
0x175: {  	v3 =	vadd.s32 $0x1380, v5;
	v6 =	vadd.s32 $0x1280, v5;
	v17 =	vadd.s32 $0x1000, v1;
	v30 =	vld.idx.msk [tilespmem:v15+s16+$0x0], $0xffff;
	[tilespmem:s8+$0xE880] =	vst v7  }
0x176: {  	v4 =	vadd.s32 $0x1300, v5;
	v16 =	vadd.s32 $0x1080, v8;
	v9 =	vadd.s32 $0x1200, v5;
	v31 =	vld.idx.msk [tilespmem:v23+s16+$0x0], $0xffff;
	[tilespmem:s2+$0x4100] =	vst v11  }
0x177: {  	v5 =	vadd.s32 $0x1380, v8;
	v20 =	vadd.s32 $0x1100, v29;
	v14 =	vadd.s32 $0x1180, v8;
	v37 =	vld.idx.msk [tilespmem:v10+s16+$0x0], $0xffff;
	[tilespmem:s0+$0x4300] =	vst v33  }
0x178: {  	v13 =	vadd.s32 $0x1200, v8;
	v21 =	vadd.s32 $0x1080, v29;
	v15 =	vadd.s32 $0x1100, v8;
	[tilespmem:s8+$0xE910] =	vst v25;
	v28 =	vld.idx.msk [tilespmem:v22+s16+$0x0], $0xffff  }
0x179: {  	v7 =	vadd.s32 $0x1300, v8;
	v23 =	vadd.s32 $0x300, v29;
	v10 =	vadd.s32 $0x1280, v8;
	v34 =	vld.idx.msk [tilespmem:v18+s16+$0x0], $0xffff;
	[tilespmem:s6+$0xEB90] =	vst v12  }
0x17a: {  	v8 =	vadd.s32 $0x1380, v29;
	v11 =	vadd.s32 $0x1300, v29;
	v33 =	vadd.s32 $0x1080, v1;
	v32 =	vld.idx.msk [tilespmem:v17+s16+$0x0], $0xffff;
	[tilespmem:s2+$0x4210] =	vst v30  }
0x17b: {  	v22 =	vadd.s32 $0x380, v29;
	v25 =	vadd.s32 $0x1000, v29;
	v30 =	vld.idx.msk [tilespmem:v35+s16+$0x0], $0xffff;
	v35 =	vadd.s32 $0x200, v2  }
0x17c: {  	s14 =	simm.s32 $0x200;
	s13 =	simm.s32 $0x6;
	s7 =	simm.s32 $0x6;
	v18 =	vadd.s32 $0x1180, v29;
	v12 =	vadd.s32 $0x1280, v29;
	v17 =	vadd.s32 $0x1200, v29;
	v29 =	vld.idx.msk [tilespmem:v36+s16+$0x0], $0xffff;
	[tilespmem:s8+$0xE900] =	vst v37  }
.LBB2_6:
0x17d: {  	s24 =	sshra.s32 s14, $0x2;
	s13 =	sadd.s32 $0x2, s13;
	v27 =	vld.idx.msk [tilespmem:v27+s16+$0x0], $0xffff;
	[tilespmem:s6+$0xEB80] =	vst v31;
	v31 =	vadd.s32 $0x1300, v0  }
0x17e: {  	v36 =	vld [tilespmem:s24+$0x10];
	p4 =	slt.u32 s13, $0x7E;
	[tilespmem:s2+$0x4180] =	vst v28  }
0x17f: {  	s25 =	sadd.s32 $0xE800, s6;
	s6 =	smov.u32 s8;
	v28 =	vld [tilespmem:s24+$0x0];
	[tilespmem:s8+$0xE990] =	vst v34  }
0x180: {  	v34 =	vld.idx.msk [tilespmem:v35+s16+$0x0], $0xffff;
	[tilespmem:s25+$0x4010] =	vst v32  }
0x181: {  	v32 =	vld.idx.msk [tilespmem:v33+s16+$0x0], $0xffff;
	[tilespmem:s2+$0x4290] =	vst v30  }
0x182: {  	v30 =	vadd.s32 $0x280, v2;
	v31 =	vld.idx.msk [tilespmem:v31+s16+$0x0], $0xffff;
	[tilespmem:s0+$0x4380] =	vst v29;
	s0 =	smov.u32 s2;
	s2 =	smov.u32 s25  }
0x183: {  	v33 =	vadd.s32 $0x1100, v1;
	[tilespmem:s6+$0xE980] =	vst v27;
	v29 =	vld.idx.msk [tilespmem:v19+s16+$0x0], $0xffff;
	v19 =	vmov v25  }
0x184: {  	v39 =	vadd.s32 $0x1380, v0;
	v0 =	vmovc v1;
	v1 =	vmovc v2;
	v35 =	vadd.s32 $0x80, v28;
	v37 =	vadd.s32 $0x100, v28;
	v38 =	vld.idx.msk [tilespmem:v26+s16+$0x0], $0xffff  }
0x185: {  	v2 =	vmovc v36;
	v27 =	vadd.s32 $0x180, v28;
	v26 =	vadd.s32 $0x200, v28;
	v40 =	vadd.s32 $0x280, v28;
	v41 =	vld.idx.msk [tilespmem:v9+s16+$0x0], $0xffff;
	v9 =	vmovc v13  }
0x186: {  	s7 =	sadd.s32 $0x2, s7;
	v42 =	vadd.s32 $0x300, v28;
	v43 =	vadd.s32 $0x380, v28;
	v25 =	vadd.s32 $0x1000, v28;
	v13 =	vmovc v17;
	v36 =	vld.idx.msk [tilespmem:v36+s16+$0x0], $0xffff;
	[tilespmem:s6+$0xEA10] =	vst v34  }
0x187: {  	s8 =	sshrl.u32 s7, $0x3;
	v44 =	vadd.s32 $0x1100, v28;
	v45 =	vadd.s32 $0x1180, v28;
	v34 =	vadd.s32 $0x1080, v28;
	v30 =	vld.idx.msk [tilespmem:v30+s16+$0x0], $0xffff;
	[tilespmem:s2+$0x4090] =	vst v32  }
0x188: {  	s8 =	smul.u32 $0xE00, s8;
	v46 =	vadd.s32 $0x80, v2;
	v17 =	vadd.s32 $0x1200, v28;
	v32 =	vadd.s32 $0x1280, v28;
	v33 =	vld.idx.msk [tilespmem:v33+s16+$0x0], $0xffff;
	[tilespmem:s0+$0x4310] =	vst v31  }
0x189: {  	v48 =	vadd.s32 $0x300, v1;
	v47 =	vadd.s32 $0x1380, v28;
	v31 =	vadd.s32 $0x1300, v28;
	[tilespmem:s2+$0x4000] =	vst v29;
	v29 =	vld.idx.msk [tilespmem:v39+s16+$0x0], $0xffff  }
0x18a: {  	s8 =	sshra.s32 s8, $0x2;
	v28 =	vld.idx.msk [tilespmem:v28+s16+$0x0], $0xffff;
	[tilespmem:s6+$0xEA00] =	vst v38;
	v38 =	vadd.s32 $0x1180, v0  }
0x18b: {  	s8 =	sadd.s32 s24, s8;
	v39 =	vld.idx.msk [tilespmem:v24+s16+$0x0], $0xffff;
	[tilespmem:s0+$0x4200] =	vst v41;
	v24 =	vmov v40  }
0x18c: {  	[tilespmem:s8+$0xE810] =	vst v36;
	v36 =	vld.idx.msk [tilespmem:v16+s16+$0x0], $0xffff;
	v16 =	vmov v21;
	v21 =	vmov v34  }
0x18d: {  	v34 =	vld.idx.msk [tilespmem:v46+s16+$0x0], $0xffff;
	[tilespmem:s6+$0xEA90] =	vst v30  }
0x18e: {  	v30 =	vld.idx.msk [tilespmem:v48+s16+$0x0], $0xffff;
	[tilespmem:s2+$0x4110] =	vst v33  }
0x18f: {  	v33 =	vadd.s32 $0x100, v2;
	v38 =	vld.idx.msk [tilespmem:v38+s16+$0x0], $0xffff;
	[tilespmem:s0+$0x4390] =	vst v29  }
0x190: {  	[tilespmem:s8+$0xE800] =	vst v28;
	v28 =	vadd.s32 $0x380, v1;
	v29 =	vld.idx.msk [tilespmem:v6+s16+$0x0], $0xffff;
	v6 =	vmovc v10;
	v10 =	vmov v12;
	v12 =	vmov v32  }
0x191: {  	v32 =	vld.idx.msk [tilespmem:v35+s16+$0x0], $0xffff;
	[tilespmem:s6+$0xEA80] =	vst v39;
	v35 =	vadd.s32 $0x1200, v0  }
0x192: {  	v39 =	vld.idx.msk [tilespmem:v23+s16+$0x0], $0xffff;
	[tilespmem:s2+$0x4080] =	vst v36;
	v23 =	vmov v42  }
0x193: {  	[tilespmem:s8+$0xE890] =	vst v34;
	v34 =	vld.idx.msk [tilespmem:v15+s16+$0x0], $0xffff;
	v15 =	vmov v20;
	v20 =	vmov v44  }
0x194: {  	v33 =	vld.idx.msk [tilespmem:v33+s16+$0x0], $0xffff;
	[tilespmem:s6+$0xEB10] =	vst v30  }
0x195: {  	v30 =	vld.idx.msk [tilespmem:v28+s16+$0x0], $0xffff;
	[tilespmem:s2+$0x4190] =	vst v38  }
0x196: {  	v36 =	vadd.s32 $0x180, v2;
	v35 =	vld.idx.msk [tilespmem:v35+s16+$0x0], $0xffff;
	[tilespmem:s0+$0x4280] =	vst v29  }
0x197: {  	v29 =	vadd.s32 $0x1000, v1;
	[tilespmem:s8+$0xE880] =	vst v32;
	v38 =	vld.idx.msk [tilespmem:v4+s16+$0x0], $0xffff;
	v4 =	vmovc v7;
	v7 =	vmov v11;
	v11 =	vmov v31  }
0x198: {  	v37 =	vld.idx.msk [tilespmem:v37+s16+$0x0], $0xffff;
	[tilespmem:s6+$0xEB00] =	vst v39;
	v39 =	vadd.s32 $0x1280, v0  }
0x199: {  	v31 =	vld.idx.msk [tilespmem:v22+s16+$0x0], $0xffff;
	[tilespmem:s2+$0x4100] =	vst v34;
	v22 =	vmov v43  }
.Ltmp6:
0x19a: {  	[tilespmem:s8+$0xE910] =	vst v33;
	v28 =	vld.idx.msk [tilespmem:v14+s16+$0x0], $0xffff;
	v14 =	vmov v18;
	v18 =	vmov v45;
	(pc) =	sbr.rel @p4 .LBB2_6-.Ltmp6, $4  }
0x19b: {  	v34 =	vld.idx.msk [tilespmem:v36+s16+$0x0], $0xffff;
	[tilespmem:s6+$0xEB90] =	vst v30  }
0x19c: {  	v32 =	vld.idx.msk [tilespmem:v29+s16+$0x0], $0xffff;
	[tilespmem:s2+$0x4210] =	vst v35  }
0x19d: {  	v35 =	vadd.s32 $0x200, v2;
	v30 =	vld.idx.msk [tilespmem:v39+s16+$0x0], $0xffff;
	[tilespmem:s0+$0x4300] =	vst v38  }
0x19e: {  	s14 =	sadd.s32 $0x80, s14;
	v33 =	vadd.s32 $0x1080, v1;
	[tilespmem:s8+$0xE900] =	vst v37;
	v29 =	vld.idx.msk [tilespmem:v3+s16+$0x0], $0xffff;
	v3 =	vmovc v5;
	v5 =	vmov v8;
	v8 =	vmov v47  }
0x19f: {  	_ =	sdelay $0x3  }
0x1a0: {  	v27 =	vld.idx.msk [tilespmem:v27+s16+$0x0], $0xffff;
	_ =	sdelay $0x3  }
0x1a1: {  	[tilespmem:s8+$0xE990] =	vst v34  }
0x1a2: {  	v34 =	vld.idx.msk [tilespmem:v35+s16+$0x0], $0xffff;
	[tilespmem:s8+$0xE980] =	vst v27  }
0x1a3: {  	v35 =	vadd.s32 $0x280, v2;
	v26 =	vld.idx.msk [tilespmem:v26+s16+$0x0], $0xffff;
	_ =	sdelay $0x3  }
0x1a4: {  	[tilespmem:s8+$0xEA10] =	vst v34  }
0x1a5: {  	v27 =	vld.idx.msk [tilespmem:v35+s16+$0x0], $0xffff;
	[tilespmem:s8+$0xEA00] =	vst v26  }
0x1a6: {  	v36 =	vadd.s32 $0x300, v2;
	v24 =	vld.idx.msk [tilespmem:v24+s16+$0x0], $0xffff;
	_ =	sdelay $0x3  }
0x1a7: {  	[tilespmem:s8+$0xEA90] =	vst v27  }
0x1a8: {  	v26 =	vld.idx.msk [tilespmem:v36+s16+$0x0], $0xffff;
	[tilespmem:s8+$0xEA80] =	vst v24  }
0x1a9: {  	v37 =	vadd.s32 $0x380, v2;
	v23 =	vld.idx.msk [tilespmem:v23+s16+$0x0], $0xffff;
	_ =	sdelay $0x3  }
0x1aa: {  	[tilespmem:s8+$0xEB10] =	vst v26  }
0x1ab: {  	v24 =	vld.idx.msk [tilespmem:v37+s16+$0x0], $0xffff;
	[tilespmem:s8+$0xEB00] =	vst v23  }
0x1ac: {  	v38 =	vadd.s32 $0x1000, v2;
	v22 =	vld.idx.msk [tilespmem:v22+s16+$0x0], $0xffff;
	_ =	sdelay $0x2  }
0x1ad: {  	[tilespmem:s6+$0xEB80] =	vst v31  }
0x1ae: {  	v19 =	vld.idx.msk [tilespmem:v19+s16+$0x0], $0xffff;
	[tilespmem:s8+$0xEB90] =	vst v24  }
0x1af: {  	v23 =	vld.idx.msk [tilespmem:v38+s16+$0x0], $0xffff;
	[tilespmem:s8+$0xEB80] =	vst v22  }
0x1b0: {  	v39 =	vadd.s32 $0x1080, v2;
	v40 =	vld.idx.msk [tilespmem:v25+s16+$0x0], $0xffff  }
0x1b1: {  	s25 =	sadd.s32 $0xE800, s6  }
0x1b2: {  	[tilespmem:s25+$0x4010] =	vst v32  }
0x1b3: {  	s7 =	sadd.s32 $0xE800, s8;
	v41 =	vld.idx.msk [tilespmem:v33+s16+$0x0], $0xffff;
	[tilespmem:s25+$0x4000] =	vst v19  }
0x1b4: {  	v42 =	vadd.s32 $0x1100, v1;
	v16 =	vld.idx.msk [tilespmem:v16+s16+$0x0], $0xffff;
	[tilespmem:s7+$0x4010] =	vst v23  }
0x1b5: {  	v22 =	vld.idx.msk [tilespmem:v39+s16+$0x0], $0xffff;
	[tilespmem:s7+$0x4000] =	vst v40  }
0x1b6: {  	v43 =	vadd.s32 $0x1100, v2;
	v21 =	vld.idx.msk [tilespmem:v21+s16+$0x0], $0xffff;
	_ =	sdelay $0x1  }
0x1b7: {  	[tilespmem:s25+$0x4090] =	vst v41  }
0x1b8: {  	v19 =	vld.idx.msk [tilespmem:v42+s16+$0x0], $0xffff;
	[tilespmem:s25+$0x4080] =	vst v16  }
0x1b9: {  	v44 =	vadd.s32 $0x1180, v1;
	v15 =	vld.idx.msk [tilespmem:v15+s16+$0x0], $0xffff;
	[tilespmem:s7+$0x4090] =	vst v22  }
0x1ba: {  	v22 =	vld.idx.msk [tilespmem:v43+s16+$0x0], $0xffff;
	[tilespmem:s7+$0x4080] =	vst v21  }
0x1bb: {  	v45 =	vadd.s32 $0x1180, v2;
	v20 =	vld.idx.msk [tilespmem:v20+s16+$0x0], $0xffff;
	_ =	sdelay $0x1  }
0x1bc: {  	[tilespmem:s25+$0x4110] =	vst v19  }
0x1bd: {  	v16 =	vld.idx.msk [tilespmem:v44+s16+$0x0], $0xffff;
	[tilespmem:s25+$0x4100] =	vst v15  }
0x1be: {  	v46 =	vadd.s32 $0x1200, v1;
	v14 =	vld.idx.msk [tilespmem:v14+s16+$0x0], $0xffff;
	[tilespmem:s7+$0x4110] =	vst v22  }
0x1bf: {  	v47 =	vld.idx.msk [tilespmem:v45+s16+$0x0], $0xffff;
	[tilespmem:s7+$0x4100] =	vst v20  }
0x1c0: {  	v48 =	vadd.s32 $0x1200, v2;
	v18 =	vld.idx.msk [tilespmem:v18+s16+$0x0], $0xffff  }
0x1c1: {  	[tilespmem:s2+$0x4180] =	vst v28  }
0x1c2: {  	v9 =	vld.idx.msk [tilespmem:v9+s16+$0x0], $0xffff;
	[tilespmem:s25+$0x4190] =	vst v16  }
0x1c3: {  	v15 =	vld.idx.msk [tilespmem:v46+s16+$0x0], $0xffff;
	[tilespmem:s25+$0x4180] =	vst v14  }
0x1c4: {  	v49 =	vadd.s32 $0x1280, v1;
	v13 =	vld.idx.msk [tilespmem:v13+s16+$0x0], $0xffff;
	[tilespmem:s7+$0x4190] =	vst v47  }
0x1c5: {  	v50 =	vld.idx.msk [tilespmem:v48+s16+$0x0], $0xffff;
	[tilespmem:s7+$0x4180] =	vst v18  }
0x1c6: {  	v51 =	vadd.s32 $0x1280, v2;
	[tilespmem:s2+$0x4290] =	vst v30;
	v17 =	vld.idx.msk [tilespmem:v17+s16+$0x0], $0xffff  }
0x1c7: {  	[tilespmem:s2+$0x4200] =	vst v9  }
0x1c8: {  	v52 =	vadd.s32 $0x1300, v0;
	v6 =	vld.idx.msk [tilespmem:v6+s16+$0x0], $0xffff;
	[tilespmem:s25+$0x4210] =	vst v15  }
0x1c9: {  	v14 =	vld.idx.msk [tilespmem:v49+s16+$0x0], $0xffff;
	[tilespmem:s25+$0x4200] =	vst v13  }
0x1ca: {  	v53 =	vadd.s32 $0x1300, v1;
	v10 =	vld.idx.msk [tilespmem:v10+s16+$0x0], $0xffff;
	[tilespmem:s7+$0x4210] =	vst v50  }
0x1cb: {  	v54 =	vld.idx.msk [tilespmem:v51+s16+$0x0], $0xffff;
	[tilespmem:s7+$0x4200] =	vst v17  }
0x1cc: {  	v55 =	vadd.s32 $0x1300, v2;
	[tilespmem:s0+$0x4380] =	vst v29;
	v12 =	vld.idx.msk [tilespmem:v12+s16+$0x0], $0xffff  }
0x1cd: {  	v9 =	vld.idx.msk [tilespmem:v52+s16+$0x0], $0xffff;
	[tilespmem:s2+$0x4280] =	vst v6  }
0x1ce: {  	v56 =	vadd.s32 $0x1380, v0;
	v4 =	vld.idx.msk [tilespmem:v4+s16+$0x0], $0xffff;
	[tilespmem:s25+$0x4290] =	vst v14  }
0x1cf: {  	v57 =	vld.idx.msk [tilespmem:v53+s16+$0x0], $0xffff;
	[tilespmem:s25+$0x4280] =	vst v10  }
0x1d0: {  	v58 =	vadd.s32 $0x1380, v1;
	v7 =	vld.idx.msk [tilespmem:v7+s16+$0x0], $0xffff;
	[tilespmem:s7+$0x4290] =	vst v54  }
0x1d1: {  	v59 =	vld.idx.msk [tilespmem:v55+s16+$0x0], $0xffff;
	[tilespmem:s7+$0x4280] =	vst v12  }
0x1d2: {  	v60 =	vadd.s32 $0x1380, v2;
	[tilespmem:s2+$0x4310] =	vst v9;
	v61 =	vld.idx.msk [tilespmem:v11+s16+$0x0], $0xffff  }
0x1d3: {  	v0 =	vld.idx.msk [tilespmem:v56+s16+$0x0], $0xffff;
	[tilespmem:s2+$0x4300] =	vst v4  }
0x1d4: {  	v3 =	vld.idx.msk [tilespmem:v3+s16+$0x0], $0xffff;
	[tilespmem:s25+$0x4310] =	vst v57  }
0x1d5: {  	v1 =	vld.idx.msk [tilespmem:v58+s16+$0x0], $0xffff;
	[tilespmem:s25+$0x4300] =	vst v7  }
0x1d6: {  	v62 =	vld.idx.msk [tilespmem:v5+s16+$0x0], $0xffff;
	[tilespmem:s7+$0x4310] =	vst v59  }
0x1d7: {  	v2 =	vld.idx.msk [tilespmem:v60+s16+$0x0], $0xffff;
	[tilespmem:s7+$0x4300] =	vst v61  }
0x1d8: {  	[tilespmem:s2+$0x4390] =	vst v0;
	v63 =	vld.idx.msk [tilespmem:v8+s16+$0x0], $0xffff  }
0x1d9: {  	[tilespmem:s2+$0x4380] =	vst v3  }
0x1da: {  	[tilespmem:s25+$0x4390] =	vst v1  }
0x1db: {  	[tilespmem:s25+$0x4380] =	vst v62  }
0x1dc: {  	s31 =	sshll.u32 s31, $0xC;
	[tilespmem:s7+$0x4390] =	vst v2  }
0x1dd: {  	s0 =	sadd.s32 s3, s31;
	[tilespmem:s7+$0x4380] =	vst v63  }
0x1de: {  	[hbm4b:s0+s4] =	stream.linear.scatter [tilespmem:s20], [sflag:$0x5], $0x8000, $0x38;
	[tilespmem:$0x1E800] =	vst v63  }
.LBB2_8:
.Ltmp7:
0x1df: {  	(pc) =	sbr.rel @p3 .LBB2_12-.Ltmp7, $1  }
0x1e0: {  	_ =	sdelay $0x3  }
0x1e1: {  	_ =	swait.ge [sflag:s21], $0x2000  }
0x1e2: {  	[sflag:s21] =	ssyncset.done $0x0  }
0x1e3: {  	s0 =	simm.s32 @!p2 $0x6;
	[sflag:s21] =	ssyncadd.s32 $0xFFFFE000  }
0x1e4: {  	s2 =	sadd.s32 s12, s30;
	_ =	swait.ge @!p2 [sflag:s0], $0x8000  }
0x1e5: {  	p3 =	sgt.u32 s2, $0xC34;
	[sflag:s0] =	ssyncset.done @!p2 $0x0  }
0x1e6: {  	s24 =	simm.s32 $0x0;
	[sflag:s0] =	ssyncadd.s32 @!p2 $0xFFFF8000;
	s0 =	sshll.u32 @!p3 s2, $0xA  }
0x1e7: {  	s6 =	simm.s32 @!p3 $0x2800;
	s2 =	simm.s32 @!p3 $0x0;
	s0 =	sadd.s32 @!p3 s1, s0  }
0x1e8: {  	[tilespmem:s6], [sflag:$0x2] =	stream.linear.gather @!p3 [hbm4b:s0+s2], $0x2000, $0x38;
	[tilespmem:$0x1E800] =	vst v63  }
0x1e9: {  	v4 =	vld [tilespmem:s24+$0x10];
	_ =	sdelay $0x3  }
0x1ea: {  	v3 =	vld [tilespmem:s24+$0x0];
	_ =	sdelay $0x2  }
0x1eb: {  	s25 =	simm.s32 $0x0  }
0x1ec: {  	s0 =	smul.u32 $0xE00, s25;
	v0 =	vld.idx.msk [tilespmem:v4+s22+$0x0], $0xffff  }
0x1ed: {  	v1 =	vadd.s32 $0x80, v4  }
0x1ee: {  	s0 =	sshra.s32 s0, $0x2  }
0x1ef: {  	s0 =	sadd.s32 $0x0, s0  }
0x1f0: {  	s30 =	sadd.s32 $0x16800, s0;
	v2 =	vld.idx.msk [tilespmem:v3+s22+$0x0], $0xffff  }
0x1f1: {  	v5 =	vadd.s32 $0x80, v3;
	[tilespmem:s30+$0x10] =	vst v0  }
0x1f2: {  	v0 =	vld.idx.msk [tilespmem:v1+s22+$0x0], $0xffff  }
0x1f3: {  	v1 =	vadd.s32 $0x100, v4;
	_ =	sdelay $0x1  }
0x1f4: {  	[tilespmem:s0+$0x16800] =	vst v2  }
0x1f5: {  	v2 =	vld.idx.msk [tilespmem:v5+s22+$0x0], $0xffff  }
0x1f6: {  	v5 =	vadd.s32 $0x100, v3;
	[tilespmem:s30+$0x90] =	vst v0  }
0x1f7: {  	v0 =	vld.idx.msk [tilespmem:v1+s22+$0x0], $0xffff  }
0x1f8: {  	v1 =	vadd.s32 $0x180, v4;
	_ =	sdelay $0x1  }
0x1f9: {  	[tilespmem:s30+$0x80] =	vst v2  }
0x1fa: {  	v6 =	vld.idx.msk [tilespmem:v5+s22+$0x0], $0xffff  }
0x1fb: {  	v7 =	vadd.s32 $0x180, v3;
	[tilespmem:s30+$0x110] =	vst v0  }
0x1fc: {  	v1 =	vld.idx.msk [tilespmem:v1+s22+$0x0], $0xffff  }
0x1fd: {  	v2 =	vadd.s32 $0x200, v4  }
0x1fe: {  	s2 =	simm.s32 $0x20  }
0x1ff: {  	v0 =	vld [tilespmem:s2+$0x10];
	[tilespmem:s30+$0x100] =	vst v6  }
0x200: {  	v6 =	vld.idx.msk [tilespmem:v7+s22+$0x0], $0xffff  }
0x201: {  	v7 =	vadd.s32 $0x200, v3;
	[tilespmem:s30+$0x190] =	vst v1  }
0x202: {  	v1 =	vld.idx.msk [tilespmem:v2+s22+$0x0], $0xffff  }
0x203: {  	v5 =	vld [tilespmem:s2+$0x0];
	v2 =	vadd.s32 $0x280, v4;
	_ =	sdelay $0x1  }
0x204: {  	[tilespmem:s30+$0x180] =	vst v6  }
0x205: {  	s6 =	simm.s32 $0x0;
	v7 =	vld.idx.msk [tilespmem:v7+s22+$0x0], $0xffff  }
0x206: {  	v11 =	vadd.s32 $0x280, v3;
	s0 =	smul.u32 $0xE00, s6;
	v8 =	vld.idx.msk [tilespmem:v0+s22+$0x0], $0xffff;
	[tilespmem:s30+$0x210] =	vst v1  }
0x207: {  	v1 =	vld.idx.msk [tilespmem:v2+s22+$0x0], $0xffff;
	v2 =	vadd.s32 $0x80, v0  }
0x208: {  	s0 =	sshra.s32 s0, $0x2  }
0x209: {  	v9 =	vadd.s32 $0x300, v4;
	s0 =	sadd.s32 $0x20, s0  }
0x20a: {  	s31 =	sadd.s32 $0x16800, s0;
	v10 =	vld.idx.msk [tilespmem:v5+s22+$0x0], $0xffff;
	[tilespmem:s30+$0x200] =	vst v7  }
0x20b: {  	v6 =	vadd.s32 $0x80, v5;
	[tilespmem:s31+$0x10] =	vst v8;
	v7 =	vld.idx.msk [tilespmem:v11+s22+$0x0], $0xffff  }
0x20c: {  	v11 =	vadd.s32 $0x300, v3;
	v2 =	vld.idx.msk [tilespmem:v2+s22+$0x0], $0xffff  }
0x20d: {  	v8 =	vadd.s32 $0x100, v0;
	[tilespmem:s30+$0x290] =	vst v1  }
0x20e: {  	v1 =	vld.idx.msk [tilespmem:v9+s22+$0x0], $0xffff  }
0x20f: {  	[tilespmem:s0+$0x16800] =	vst v10;
	v9 =	vadd.s32 $0x380, v4  }
0x210: {  	v6 =	vld.idx.msk [tilespmem:v6+s22+$0x0], $0xffff;
	[tilespmem:s30+$0x280] =	vst v7  }
0x211: {  	v10 =	vadd.s32 $0x100, v5;
	v7 =	vld.idx.msk [tilespmem:v11+s22+$0x0], $0xffff;
	[tilespmem:s31+$0x90] =	vst v2  }
0x212: {  	v11 =	vadd.s32 $0x380, v3;
	v2 =	vld.idx.msk [tilespmem:v8+s22+$0x0], $0xffff  }
0x213: {  	[tilespmem:s30+$0x310] =	vst v1;
	v8 =	vadd.s32 $0x180, v0  }
0x214: {  	v1 =	vld.idx.msk [tilespmem:v9+s22+$0x0], $0xffff  }
0x215: {  	[tilespmem:s31+$0x80] =	vst v6;
	v6 =	vadd.s32 $0x1000, v4  }
0x216: {  	[tilespmem:s30+$0x300] =	vst v7;
	v9 =	vld.idx.msk [tilespmem:v10+s22+$0x0], $0xffff  }
0x217: {  	v10 =	vadd.s32 $0x180, v5;
	v11 =	vld.idx.msk [tilespmem:v11+s22+$0x0], $0xffff;
	[tilespmem:s31+$0x110] =	vst v2  }
0x218: {  	s7 =	simm.s32 $0x40;
	v2 =	vld.idx.msk [tilespmem:v8+s22+$0x0], $0xffff  }
0x219: {  	v12 =	vadd.s32 $0x200, v0;
	[tilespmem:s30+$0x390] =	vst v1;
	v1 =	vld [tilespmem:s7+$0x10]  }
0x21a: {  	v13 =	vadd.s32 $0x1000, v3;
	v6 =	vld.idx.msk [tilespmem:v6+s22+$0x0], $0xffff  }
0x21b: {  	[tilespmem:s31+$0x100] =	vst v9;
	v9 =	vadd.s32 $0x1080, v4;
	v8 =	vld [tilespmem:s7+$0x0]  }
0x21c: {  	v10 =	vld.idx.msk [tilespmem:v10+s22+$0x0], $0xffff  }
0x21d: {  	v7 =	vadd.s32 $0x200, v5;
	[tilespmem:s31+$0x190] =	vst v2  }
0x21e: {  	[tilespmem:s30+$0x380] =	vst v11;
	v2 =	vld.idx.msk [tilespmem:v12+s22+$0x0], $0xffff  }
0x21f: {  	[tilespmem:s30+$0x4010] =	vst v6;
	v12 =	vld.idx.msk [tilespmem:v13+s22+$0x0], $0xffff  }
0x220: {  	v6 =	vld.idx.msk [tilespmem:v9+s22+$0x0], $0xffff;
	v9 =	vadd.s32 $0x280, v0  }
0x221: {  	[tilespmem:s31+$0x180] =	vst v10;
	v13 =	vadd.s32 $0x1080, v3  }
0x222: {  	v10 =	vadd.s32 $0x1100, v4;
	v7 =	vld.idx.msk [tilespmem:v7+s22+$0x0], $0xffff  }
0x223: {  	s8 =	simm.s32 $0x0;
	v11 =	vadd.s32 $0x280, v5;
	v15 =	vld.idx.msk [tilespmem:v8+s22+$0x0], $0xffff;
	[tilespmem:s31+$0x210] =	vst v2  }
0x224: {  	s0 =	smul.u32 $0xE00, s8;
	v16 =	vadd.s32 $0x80, v8;
	v14 =	vld.idx.msk [tilespmem:v1+s22+$0x0], $0xffff;
	[tilespmem:s30+$0x4000] =	vst v12  }
0x225: {  	v2 =	vld.idx.msk [tilespmem:v9+s22+$0x0], $0xffff;
	[tilespmem:s30+$0x4090] =	vst v6;
	v6 =	vadd.s32 $0x80, v1  }
0x226: {  	s0 =	sshra.s32 s0, $0x2;
	v13 =	vld.idx.msk [tilespmem:v13+s22+$0x0], $0xffff  }
0x227: {  	s13 =	sadd.s32 $0x40, s0;
	[tilespmem:s31+$0x200] =	vst v7;
	v9 =	vld.idx.msk [tilespmem:v10+s22+$0x0], $0xffff;
	v10 =	vadd.s32 $0x300, v0  }
0x228: {  	s0 =	sadd.s32 $0x16800, s13;
	v7 =	vadd.s32 $0x1180, v4;
	v11 =	vld.idx.msk [tilespmem:v11+s22+$0x0], $0xffff;
	[tilespmem:s13+$0x16800] =	vst v15  }
0x229: {  	v12 =	vadd.s32 $0x300, v5;
	[tilespmem:s0+$0x10] =	vst v14;
	v15 =	vld.idx.msk [tilespmem:v16+s22+$0x0], $0xffff  }
0x22a: {  	s14 =	simm.s32 $0x60;
	v14 =	vadd.s32 $0x1100, v3;
	v6 =	vld.idx.msk [tilespmem:v6+s22+$0x0], $0xffff;
	[tilespmem:s31+$0x290] =	vst v2  }
0x22b: {  	v29 =	vld [tilespmem:s14+$0x0];
	v16 =	vadd.s32 $0x100, v8;
	[tilespmem:s30+$0x4080] =	vst v13  }
0x22c: {  	v2 =	vld.idx.msk [tilespmem:v10+s22+$0x0], $0xffff;
	[tilespmem:s30+$0x4110] =	vst v9;
	v9 =	vadd.s32 $0x100, v1  }
0x22d: {  	v10 =	vadd.s32 $0x380, v0;
	[tilespmem:s31+$0x280] =	vst v11;
	v7 =	vld.idx.msk [tilespmem:v7+s22+$0x0], $0xffff  }
0x22e: {  	v11 =	vadd.s32 $0x1200, v4;
	v12 =	vld.idx.msk [tilespmem:v12+s22+$0x0], $0xffff;
	[tilespmem:s0+$0x80] =	vst v15  }
0x22f: {  	v13 =	vadd.s32 $0x380, v5;
	[tilespmem:s0+$0x90] =	vst v6;
	v6 =	vld.idx.msk [tilespmem:v14+s22+$0x0], $0xffff  }
0x230: {  	v15 =	vld.idx.msk [tilespmem:v16+s22+$0x0], $0xffff;
	v14 =	vadd.s32 $0x1180, v3  }
0x231: {  	v16 =	vadd.s32 $0x180, v8;
	v9 =	vld.idx.msk [tilespmem:v9+s22+$0x0], $0xffff;
	[tilespmem:s31+$0x310] =	vst v2  }
0x232: {  	v2 =	vld.idx.msk [tilespmem:v10+s22+$0x0], $0xffff;
	[tilespmem:s30+$0x4190] =	vst v7;
	v7 =	vadd.s32 $0x180, v1  }
0x233: {  	[tilespmem:s31+$0x300] =	vst v12;
	v10 =	vld.idx.msk [tilespmem:v11+s22+$0x0], $0xffff  }
0x234: {  	v11 =	vadd.s32 $0x1000, v0;
	v13 =	vld.idx.msk [tilespmem:v13+s22+$0x0], $0xffff;
	[tilespmem:s30+$0x4100] =	vst v6  }
0x235: {  	v12 =	vadd.s32 $0x1280, v4;
	[tilespmem:s0+$0x100] =	vst v15;
	v6 =	vld.idx.msk [tilespmem:v14+s22+$0x0], $0xffff  }
0x236: {  	[tilespmem:s0+$0x110] =	vst v9;
	v14 =	vld.idx.msk [tilespmem:v16+s22+$0x0], $0xffff  }
0x237: {  	v16 =	vadd.s32 $0x1000, v5;
	v7 =	vld.idx.msk [tilespmem:v7+s22+$0x0], $0xffff  }
0x238: {  	v17 =	vadd.s32 $0x200, v8;
	[tilespmem:s31+$0x390] =	vst v2;
	v2 =	vld [tilespmem:s14+$0x10]  }
0x239: {  	v9 =	vld.idx.msk [tilespmem:v11+s22+$0x0], $0xffff;
	[tilespmem:s30+$0x4210] =	vst v10;
	v10 =	vadd.s32 $0x200, v1  }
0x23a: {  	[tilespmem:s31+$0x380] =	vst v13;
	v11 =	vld.idx.msk [tilespmem:v12+s22+$0x0], $0xffff;
	v12 =	vadd.s32 $0x1080, v0  }
0x23b: {  	v15 =	vadd.s32 $0x1300, v4;
	[tilespmem:s0+$0x180] =	vst v14  }
0x23c: {  	v13 =	vld.idx.msk [tilespmem:v16+s22+$0x0], $0xffff;
	[tilespmem:s30+$0x4180] =	vst v6  }
0x23d: {  	[tilespmem:s0+$0x190] =	vst v7;
	v6 =	vld.idx.msk [tilespmem:v17+s22+$0x0], $0xffff  }
0x23e: {  	v7 =	vadd.s32 $0x1200, v3;
	v10 =	vld.idx.msk [tilespmem:v10+s22+$0x0], $0xffff;
	[tilespmem:s31+$0x4010] =	vst v9  }
0x23f: {  	v9 =	vld.idx.msk [tilespmem:v12+s22+$0x0], $0xffff;
	[tilespmem:s30+$0x4290] =	vst v11;
	v11 =	vadd.s32 $0x280, v1  }
0x240: {  	s24 =	simm.s32 $0x0;
	v14 =	vadd.s32 $0x1100, v0;
	v12 =	vld.idx.msk [tilespmem:v15+s22+$0x0], $0xffff  }
0x241: {  	s2 =	smul.u32 $0xE00, s24;
	v15 =	vadd.s32 $0x280, v8;
	v16 =	vld.idx.msk [tilespmem:v2+s22+$0x0], $0xffff;
	[tilespmem:s31+$0x4000] =	vst v13  }
0x242: {  	v4 =	vadd.s32 $0x1380, v4;
	v13 =	vld.idx.msk [tilespmem:v29+s22+$0x0], $0xffff;
	[tilespmem:s0+$0x200] =	vst v6  }
0x243: {  	s2 =	sshra.s32 s2, $0x2;
	v7 =	vld.idx.msk [tilespmem:v7+s22+$0x0], $0xffff;
	[tilespmem:s0+$0x210] =	vst v10;
	v10 =	vadd.s32 $0x1080, v5  }
0x244: {  	s25 =	sadd.s32 $0x60, s2;
	v17 =	vadd.s32 $0x1280, v3;
	v11 =	vld.idx.msk [tilespmem:v11+s22+$0x0], $0xffff;
	[tilespmem:s31+$0x4090] =	vst v9  }
0x245: {  	s2 =	sadd.s32 $0x16800, s25;
	v9 =	vadd.s32 $0x80, v2;
	v14 =	vld.idx.msk [tilespmem:v14+s22+$0x0], $0xffff;
	[tilespmem:s30+$0x4310] =	vst v12  }
0x246: {  	v12 =	vadd.s32 $0x300, v1;
	v15 =	vld.idx.msk [tilespmem:v15+s22+$0x0], $0xffff;
	[tilespmem:s2+$0x10] =	vst v16  }
0x247: {  	v6 =	vadd.s32 $0x1180, v0;
	v4 =	vld.idx.msk [tilespmem:v4+s22+$0x0], $0xffff;
	[tilespmem:s25+$0x16800] =	vst v13  }
0x248: {  	v16 =	vadd.s32 $0x300, v8;
	[tilespmem:s30+$0x4200] =	vst v7;
	v10 =	vld.idx.msk [tilespmem:v10+s22+$0x0], $0xffff  }
0x249: {  	v7 =	vadd.s32 $0x80, v29;
	v17 =	vld.idx.msk [tilespmem:v17+s22+$0x0], $0xffff;
	[tilespmem:s0+$0x290] =	vst v11  }
0x24a: {  	v9 =	vld.idx.msk [tilespmem:v9+s22+$0x0], $0xffff;
	v11 =	vadd.s32 $0x1100, v5;
	[tilespmem:s31+$0x4110] =	vst v14  }
0x24b: {  	v20 =	vadd.s32 $0x1300, v3;
	v12 =	vld.idx.msk [tilespmem:v12+s22+$0x0], $0xffff;
	[tilespmem:s0+$0x280] =	vst v15  }
0x24c: {  	v14 =	vadd.s32 $0x100, v2;
	v18 =	vld.idx.msk [tilespmem:v6+s22+$0x0], $0xffff;
	[tilespmem:s30+$0x4390] =	vst v4  }
0x24d: {  	v13 =	vadd.s32 $0x380, v1;
	v21 =	vld.idx.msk [tilespmem:v16+s22+$0x0], $0xffff;
	[tilespmem:s31+$0x4080] =	vst v10  }
0x24e: {  	v15 =	vadd.s32 $0x1200, v0;
	v7 =	vld.idx.msk [tilespmem:v7+s22+$0x0], $0xffff;
	[tilespmem:s30+$0x4280] =	vst v17  }
0x24f: {  	v23 =	vadd.s32 $0x380, v8;
	[tilespmem:s2+$0x90] =	vst v9;
	v11 =	vld.idx.msk [tilespmem:v11+s22+$0x0], $0xffff  }
0x250: {  	v36 =	vadd.s32 $0x1380, v3;
	v27 =	vadd.s32 $0x180, v29;
	v10 =	vadd.s32 $0x100, v29;
	v33 =	vld.idx.msk [tilespmem:v20+s22+$0x0], $0xffff;
	[tilespmem:s0+$0x310] =	vst v12  }
0x251: {  	v26 =	vadd.s32 $0x200, v29;
	v24 =	vadd.s32 $0x280, v29;
	v22 =	vadd.s32 $0x1180, v5;
	v25 =	vld.idx.msk [tilespmem:v14+s22+$0x0], $0xffff;
	[tilespmem:s31+$0x4190] =	vst v18  }
0x252: {  	v35 =	vadd.s32 $0x1280, v0;
	v19 =	vadd.s32 $0x1000, v8;
	v12 =	vld.idx.msk [tilespmem:v13+s22+$0x0], $0xffff;
	v18 =	vadd.s32 $0x180, v2;
	[tilespmem:s0+$0x300] =	vst v21  }
0x253: {  	v3 =	vadd.s32 $0x1380, v5;
	v6 =	vadd.s32 $0x1280, v5;
	v17 =	vadd.s32 $0x1000, v1;
	v30 =	vld.idx.msk [tilespmem:v15+s22+$0x0], $0xffff;
	[tilespmem:s2+$0x80] =	vst v7  }
0x254: {  	v4 =	vadd.s32 $0x1300, v5;
	v16 =	vadd.s32 $0x1080, v8;
	v9 =	vadd.s32 $0x1200, v5;
	v31 =	vld.idx.msk [tilespmem:v23+s22+$0x0], $0xffff;
	[tilespmem:s31+$0x4100] =	vst v11  }
0x255: {  	v5 =	vadd.s32 $0x1380, v8;
	v20 =	vadd.s32 $0x1100, v29;
	v14 =	vadd.s32 $0x1180, v8;
	v37 =	vld.idx.msk [tilespmem:v10+s22+$0x0], $0xffff;
	[tilespmem:s30+$0x4300] =	vst v33  }
0x256: {  	v13 =	vadd.s32 $0x1200, v8;
	v21 =	vadd.s32 $0x1080, v29;
	v15 =	vadd.s32 $0x1100, v8;
	[tilespmem:s2+$0x110] =	vst v25;
	v28 =	vld.idx.msk [tilespmem:v22+s22+$0x0], $0xffff  }
0x257: {  	v7 =	vadd.s32 $0x1300, v8;
	v23 =	vadd.s32 $0x300, v29;
	v10 =	vadd.s32 $0x1280, v8;
	v34 =	vld.idx.msk [tilespmem:v18+s22+$0x0], $0xffff;
	[tilespmem:s0+$0x390] =	vst v12  }
0x258: {  	v8 =	vadd.s32 $0x1380, v29;
	v11 =	vadd.s32 $0x1300, v29;
	v33 =	vadd.s32 $0x1080, v1;
	v32 =	vld.idx.msk [tilespmem:v17+s22+$0x0], $0xffff;
	[tilespmem:s31+$0x4210] =	vst v30  }
0x259: {  	v22 =	vadd.s32 $0x380, v29;
	v25 =	vadd.s32 $0x1000, v29;
	v30 =	vld.idx.msk [tilespmem:v35+s22+$0x0], $0xffff;
	v35 =	vadd.s32 $0x200, v2  }
0x25a: {  	s6 =	simm.s32 $0x6;
	s8 =	simm.s32 $0x200;
	s7 =	simm.s32 $0x6;
	v18 =	vadd.s32 $0x1180, v29;
	v12 =	vadd.s32 $0x1280, v29;
	v17 =	vadd.s32 $0x1200, v29;
	v29 =	vld.idx.msk [tilespmem:v36+s22+$0x0], $0xffff;
	[tilespmem:s2+$0x100] =	vst v37  }
.LBB2_10:
0x25b: {  	s13 =	sshra.s32 s8, $0x2;
	s6 =	sadd.s32 $0x2, s6;
	v27 =	vld.idx.msk [tilespmem:v27+s22+$0x0], $0xffff;
	[tilespmem:s0+$0x380] =	vst v31;
	v31 =	vadd.s32 $0x1300, v0  }
0x25c: {  	v36 =	vld [tilespmem:s13+$0x10];
	p2 =	slt.u32 s6, $0x7E;
	[tilespmem:s31+$0x4180] =	vst v28  }
0x25d: {  	v28 =	vld [tilespmem:s13+$0x0];
	[tilespmem:s2+$0x190] =	vst v34  }
0x25e: {  	v34 =	vld.idx.msk [tilespmem:v35+s22+$0x0], $0xffff;
	[tilespmem:s0+$0x4010] =	vst v32  }
0x25f: {  	v32 =	vld.idx.msk [tilespmem:v33+s22+$0x0], $0xffff;
	[tilespmem:s31+$0x4290] =	vst v30  }
0x260: {  	v30 =	vadd.s32 $0x280, v2;
	v31 =	vld.idx.msk [tilespmem:v31+s22+$0x0], $0xffff;
	[tilespmem:s30+$0x4380] =	vst v29;
	s30 =	smov.u32 s31;
	s31 =	smov.u32 s0;
	s0 =	smov.u32 s2  }
0x261: {  	v33 =	vadd.s32 $0x1100, v1;
	[tilespmem:s0+$0x180] =	vst v27;
	v29 =	vld.idx.msk [tilespmem:v19+s22+$0x0], $0xffff;
	v19 =	vmov v25  }
0x262: {  	v39 =	vadd.s32 $0x1380, v0;
	v0 =	vmovc v1;
	v1 =	vmovc v2;
	v35 =	vadd.s32 $0x80, v28;
	v37 =	vadd.s32 $0x100, v28;
	v38 =	vld.idx.msk [tilespmem:v26+s22+$0x0], $0xffff  }
0x263: {  	s7 =	sadd.s32 $0x2, s7;
	v2 =	vmovc v36;
	v27 =	vadd.s32 $0x180, v28;
	v26 =	vadd.s32 $0x200, v28;
	v40 =	vadd.s32 $0x280, v28;
	v41 =	vld.idx.msk [tilespmem:v9+s22+$0x0], $0xffff;
	v9 =	vmovc v13  }
0x264: {  	s2 =	sshrl.u32 s7, $0x3;
	v42 =	vadd.s32 $0x300, v28;
	v43 =	vadd.s32 $0x380, v28;
	v25 =	vadd.s32 $0x1000, v28;
	v13 =	vmovc v17;
	v36 =	vld.idx.msk [tilespmem:v36+s22+$0x0], $0xffff;
	[tilespmem:s0+$0x210] =	vst v34  }
0x265: {  	s2 =	smul.u32 $0xE00, s2;
	v44 =	vadd.s32 $0x1100, v28;
	v45 =	vadd.s32 $0x1180, v28;
	v34 =	vadd.s32 $0x1080, v28;
	v30 =	vld.idx.msk [tilespmem:v30+s22+$0x0], $0xffff;
	[tilespmem:s31+$0x4090] =	vst v32  }
0x266: {  	v46 =	vadd.s32 $0x80, v2;
	v17 =	vadd.s32 $0x1200, v28;
	v32 =	vadd.s32 $0x1280, v28;
	v33 =	vld.idx.msk [tilespmem:v33+s22+$0x0], $0xffff;
	[tilespmem:s30+$0x4310] =	vst v31  }
0x267: {  	v48 =	vadd.s32 $0x300, v1;
	v47 =	vadd.s32 $0x1380, v28;
	s2 =	sshra.s32 s2, $0x2;
	v31 =	vadd.s32 $0x1300, v28;
	[tilespmem:s31+$0x4000] =	vst v29;
	v29 =	vld.idx.msk [tilespmem:v39+s22+$0x0], $0xffff  }
0x268: {  	s13 =	sadd.s32 s13, s2;
	v28 =	vld.idx.msk [tilespmem:v28+s22+$0x0], $0xffff;
	[tilespmem:s0+$0x200] =	vst v38;
	v38 =	vadd.s32 $0x1180, v0  }
0x269: {  	s2 =	sadd.s32 $0x16800, s13;
	v39 =	vld.idx.msk [tilespmem:v24+s22+$0x0], $0xffff;
	[tilespmem:s30+$0x4200] =	vst v41;
	v24 =	vmov v40  }
0x26a: {  	[tilespmem:s2+$0x10] =	vst v36;
	v36 =	vld.idx.msk [tilespmem:v16+s22+$0x0], $0xffff;
	v16 =	vmov v21;
	v21 =	vmov v34  }
0x26b: {  	v34 =	vld.idx.msk [tilespmem:v46+s22+$0x0], $0xffff;
	[tilespmem:s0+$0x290] =	vst v30  }
0x26c: {  	v30 =	vld.idx.msk [tilespmem:v48+s22+$0x0], $0xffff;
	[tilespmem:s31+$0x4110] =	vst v33  }
0x26d: {  	v33 =	vadd.s32 $0x100, v2;
	v38 =	vld.idx.msk [tilespmem:v38+s22+$0x0], $0xffff;
	[tilespmem:s30+$0x4390] =	vst v29  }
0x26e: {  	[tilespmem:s13+$0x16800] =	vst v28;
	v28 =	vadd.s32 $0x380, v1;
	v29 =	vld.idx.msk [tilespmem:v6+s22+$0x0], $0xffff;
	v6 =	vmovc v10;
	v10 =	vmov v12;
	v12 =	vmov v32  }
0x26f: {  	v32 =	vld.idx.msk [tilespmem:v35+s22+$0x0], $0xffff;
	[tilespmem:s0+$0x280] =	vst v39;
	v35 =	vadd.s32 $0x1200, v0  }
0x270: {  	v39 =	vld.idx.msk [tilespmem:v23+s22+$0x0], $0xffff;
	[tilespmem:s31+$0x4080] =	vst v36;
	v23 =	vmov v42  }
0x271: {  	[tilespmem:s2+$0x90] =	vst v34;
	v34 =	vld.idx.msk [tilespmem:v15+s22+$0x0], $0xffff;
	v15 =	vmov v20;
	v20 =	vmov v44  }
0x272: {  	v33 =	vld.idx.msk [tilespmem:v33+s22+$0x0], $0xffff;
	[tilespmem:s0+$0x310] =	vst v30  }
0x273: {  	v30 =	vld.idx.msk [tilespmem:v28+s22+$0x0], $0xffff;
	[tilespmem:s31+$0x4190] =	vst v38  }
0x274: {  	v36 =	vadd.s32 $0x180, v2;
	v35 =	vld.idx.msk [tilespmem:v35+s22+$0x0], $0xffff;
	[tilespmem:s30+$0x4280] =	vst v29  }
0x275: {  	v29 =	vadd.s32 $0x1000, v1;
	[tilespmem:s2+$0x80] =	vst v32;
	v38 =	vld.idx.msk [tilespmem:v4+s22+$0x0], $0xffff;
	v4 =	vmovc v7;
	v7 =	vmov v11;
	v11 =	vmov v31  }
0x276: {  	v37 =	vld.idx.msk [tilespmem:v37+s22+$0x0], $0xffff;
	[tilespmem:s0+$0x300] =	vst v39;
	v39 =	vadd.s32 $0x1280, v0  }
0x277: {  	v31 =	vld.idx.msk [tilespmem:v22+s22+$0x0], $0xffff;
	[tilespmem:s31+$0x4100] =	vst v34;
	v22 =	vmov v43  }
.Ltmp8:
0x278: {  	[tilespmem:s2+$0x110] =	vst v33;
	v28 =	vld.idx.msk [tilespmem:v14+s22+$0x0], $0xffff;
	v14 =	vmov v18;
	v18 =	vmov v45;
	(pc) =	sbr.rel @p2 .LBB2_10-.Ltmp8, $4  }
0x279: {  	v34 =	vld.idx.msk [tilespmem:v36+s22+$0x0], $0xffff;
	[tilespmem:s0+$0x390] =	vst v30  }
0x27a: {  	v32 =	vld.idx.msk [tilespmem:v29+s22+$0x0], $0xffff;
	[tilespmem:s31+$0x4210] =	vst v35  }
0x27b: {  	v35 =	vadd.s32 $0x200, v2;
	v30 =	vld.idx.msk [tilespmem:v39+s22+$0x0], $0xffff;
	[tilespmem:s30+$0x4300] =	vst v38  }
0x27c: {  	s8 =	sadd.s32 $0x80, s8;
	v33 =	vadd.s32 $0x1080, v1;
	[tilespmem:s2+$0x100] =	vst v37;
	v29 =	vld.idx.msk [tilespmem:v3+s22+$0x0], $0xffff;
	v3 =	vmovc v5;
	v5 =	vmov v8;
	v8 =	vmov v47  }
0x27d: {  	_ =	sdelay $0x3  }
0x27e: {  	v27 =	vld.idx.msk [tilespmem:v27+s22+$0x0], $0xffff;
	_ =	sdelay $0x3  }
0x27f: {  	[tilespmem:s2+$0x190] =	vst v34  }
0x280: {  	v34 =	vld.idx.msk [tilespmem:v35+s22+$0x0], $0xffff;
	[tilespmem:s2+$0x180] =	vst v27  }
0x281: {  	v35 =	vadd.s32 $0x280, v2;
	v26 =	vld.idx.msk [tilespmem:v26+s22+$0x0], $0xffff;
	_ =	sdelay $0x3  }
0x282: {  	[tilespmem:s2+$0x210] =	vst v34  }
0x283: {  	v27 =	vld.idx.msk [tilespmem:v35+s22+$0x0], $0xffff;
	[tilespmem:s2+$0x200] =	vst v26  }
0x284: {  	v36 =	vadd.s32 $0x300, v2;
	v24 =	vld.idx.msk [tilespmem:v24+s22+$0x0], $0xffff;
	_ =	sdelay $0x3  }
0x285: {  	[tilespmem:s2+$0x290] =	vst v27  }
0x286: {  	v26 =	vld.idx.msk [tilespmem:v36+s22+$0x0], $0xffff;
	[tilespmem:s2+$0x280] =	vst v24  }
0x287: {  	v37 =	vadd.s32 $0x380, v2;
	v23 =	vld.idx.msk [tilespmem:v23+s22+$0x0], $0xffff;
	_ =	sdelay $0x3  }
0x288: {  	[tilespmem:s2+$0x310] =	vst v26  }
0x289: {  	v24 =	vld.idx.msk [tilespmem:v37+s22+$0x0], $0xffff;
	[tilespmem:s2+$0x300] =	vst v23  }
0x28a: {  	v38 =	vadd.s32 $0x1000, v2;
	v22 =	vld.idx.msk [tilespmem:v22+s22+$0x0], $0xffff;
	_ =	sdelay $0x2  }
0x28b: {  	[tilespmem:s0+$0x380] =	vst v31  }
0x28c: {  	v19 =	vld.idx.msk [tilespmem:v19+s22+$0x0], $0xffff;
	[tilespmem:s2+$0x390] =	vst v24  }
0x28d: {  	v23 =	vld.idx.msk [tilespmem:v38+s22+$0x0], $0xffff;
	[tilespmem:s2+$0x380] =	vst v22  }
0x28e: {  	v39 =	vadd.s32 $0x1080, v2;
	v40 =	vld.idx.msk [tilespmem:v25+s22+$0x0], $0xffff;
	_ =	sdelay $0x1  }
0x28f: {  	[tilespmem:s0+$0x4010] =	vst v32  }
0x290: {  	v41 =	vld.idx.msk [tilespmem:v33+s22+$0x0], $0xffff;
	[tilespmem:s0+$0x4000] =	vst v19  }
0x291: {  	v42 =	vadd.s32 $0x1100, v1;
	v16 =	vld.idx.msk [tilespmem:v16+s22+$0x0], $0xffff;
	[tilespmem:s2+$0x4010] =	vst v23  }
0x292: {  	v22 =	vld.idx.msk [tilespmem:v39+s22+$0x0], $0xffff;
	[tilespmem:s2+$0x4000] =	vst v40  }
0x293: {  	v43 =	vadd.s32 $0x1100, v2;
	v21 =	vld.idx.msk [tilespmem:v21+s22+$0x0], $0xffff;
	_ =	sdelay $0x1  }
0x294: {  	[tilespmem:s0+$0x4090] =	vst v41  }
0x295: {  	v19 =	vld.idx.msk [tilespmem:v42+s22+$0x0], $0xffff;
	[tilespmem:s0+$0x4080] =	vst v16  }
0x296: {  	v44 =	vadd.s32 $0x1180, v1;
	v15 =	vld.idx.msk [tilespmem:v15+s22+$0x0], $0xffff;
	[tilespmem:s2+$0x4090] =	vst v22  }
0x297: {  	v22 =	vld.idx.msk [tilespmem:v43+s22+$0x0], $0xffff;
	[tilespmem:s2+$0x4080] =	vst v21  }
0x298: {  	v45 =	vadd.s32 $0x1180, v2;
	v20 =	vld.idx.msk [tilespmem:v20+s22+$0x0], $0xffff;
	_ =	sdelay $0x1  }
0x299: {  	[tilespmem:s0+$0x4110] =	vst v19  }
0x29a: {  	v16 =	vld.idx.msk [tilespmem:v44+s22+$0x0], $0xffff;
	[tilespmem:s0+$0x4100] =	vst v15  }
0x29b: {  	v46 =	vadd.s32 $0x1200, v1;
	v14 =	vld.idx.msk [tilespmem:v14+s22+$0x0], $0xffff;
	[tilespmem:s2+$0x4110] =	vst v22  }
0x29c: {  	v47 =	vld.idx.msk [tilespmem:v45+s22+$0x0], $0xffff;
	[tilespmem:s2+$0x4100] =	vst v20  }
0x29d: {  	v48 =	vadd.s32 $0x1200, v2;
	v18 =	vld.idx.msk [tilespmem:v18+s22+$0x0], $0xffff  }
0x29e: {  	[tilespmem:s31+$0x4180] =	vst v28  }
0x29f: {  	v9 =	vld.idx.msk [tilespmem:v9+s22+$0x0], $0xffff;
	[tilespmem:s0+$0x4190] =	vst v16  }
0x2a0: {  	v15 =	vld.idx.msk [tilespmem:v46+s22+$0x0], $0xffff;
	[tilespmem:s0+$0x4180] =	vst v14  }
0x2a1: {  	v49 =	vadd.s32 $0x1280, v1;
	v13 =	vld.idx.msk [tilespmem:v13+s22+$0x0], $0xffff;
	[tilespmem:s2+$0x4190] =	vst v47  }
0x2a2: {  	v50 =	vld.idx.msk [tilespmem:v48+s22+$0x0], $0xffff;
	[tilespmem:s2+$0x4180] =	vst v18  }
0x2a3: {  	v51 =	vadd.s32 $0x1280, v2;
	[tilespmem:s31+$0x4290] =	vst v30;
	v17 =	vld.idx.msk [tilespmem:v17+s22+$0x0], $0xffff  }
0x2a4: {  	[tilespmem:s31+$0x4200] =	vst v9  }
0x2a5: {  	v52 =	vadd.s32 $0x1300, v0;
	v6 =	vld.idx.msk [tilespmem:v6+s22+$0x0], $0xffff;
	[tilespmem:s0+$0x4210] =	vst v15  }
0x2a6: {  	v14 =	vld.idx.msk [tilespmem:v49+s22+$0x0], $0xffff;
	[tilespmem:s0+$0x4200] =	vst v13  }
0x2a7: {  	v53 =	vadd.s32 $0x1300, v1;
	v10 =	vld.idx.msk [tilespmem:v10+s22+$0x0], $0xffff;
	[tilespmem:s2+$0x4210] =	vst v50  }
0x2a8: {  	v54 =	vld.idx.msk [tilespmem:v51+s22+$0x0], $0xffff;
	[tilespmem:s2+$0x4200] =	vst v17  }
0x2a9: {  	v55 =	vadd.s32 $0x1300, v2;
	[tilespmem:s30+$0x4380] =	vst v29;
	v12 =	vld.idx.msk [tilespmem:v12+s22+$0x0], $0xffff  }
0x2aa: {  	v9 =	vld.idx.msk [tilespmem:v52+s22+$0x0], $0xffff;
	[tilespmem:s31+$0x4280] =	vst v6  }
0x2ab: {  	v56 =	vadd.s32 $0x1380, v0;
	v4 =	vld.idx.msk [tilespmem:v4+s22+$0x0], $0xffff;
	[tilespmem:s0+$0x4290] =	vst v14  }
0x2ac: {  	v57 =	vld.idx.msk [tilespmem:v53+s22+$0x0], $0xffff;
	[tilespmem:s0+$0x4280] =	vst v10  }
0x2ad: {  	v58 =	vadd.s32 $0x1380, v1;
	v7 =	vld.idx.msk [tilespmem:v7+s22+$0x0], $0xffff;
	[tilespmem:s2+$0x4290] =	vst v54  }
0x2ae: {  	v59 =	vld.idx.msk [tilespmem:v55+s22+$0x0], $0xffff;
	[tilespmem:s2+$0x4280] =	vst v12  }
0x2af: {  	v60 =	vadd.s32 $0x1380, v2;
	[tilespmem:s31+$0x4310] =	vst v9;
	v61 =	vld.idx.msk [tilespmem:v11+s22+$0x0], $0xffff  }
0x2b0: {  	v0 =	vld.idx.msk [tilespmem:v56+s22+$0x0], $0xffff;
	[tilespmem:s31+$0x4300] =	vst v4  }
0x2b1: {  	v3 =	vld.idx.msk [tilespmem:v3+s22+$0x0], $0xffff;
	[tilespmem:s0+$0x4310] =	vst v57  }
0x2b2: {  	v1 =	vld.idx.msk [tilespmem:v58+s22+$0x0], $0xffff;
	[tilespmem:s0+$0x4300] =	vst v7  }
0x2b3: {  	v62 =	vld.idx.msk [tilespmem:v5+s22+$0x0], $0xffff;
	[tilespmem:s2+$0x4310] =	vst v59  }
0x2b4: {  	v2 =	vld.idx.msk [tilespmem:v60+s22+$0x0], $0xffff;
	[tilespmem:s2+$0x4300] =	vst v61  }
0x2b5: {  	[tilespmem:s31+$0x4390] =	vst v0;
	v63 =	vld.idx.msk [tilespmem:v8+s22+$0x0], $0xffff  }
0x2b6: {  	[tilespmem:s31+$0x4380] =	vst v3  }
.Ltmp9:
0x2b7: {  	[tilespmem:s0+$0x4390] =	vst v1;
	(pc) =	sbr.rel .LBB2_12-.Ltmp9, $4  }
0x2b8: {  	[tilespmem:s0+$0x4380] =	vst v62  }
0x2b9: {  	s31 =	sshll.u32 s29, $0xC;
	[tilespmem:s2+$0x4390] =	vst v2  }
0x2ba: {  	s0 =	sadd.s32 s3, s31;
	[tilespmem:s2+$0x4380] =	vst v63  }
0x2bb: {  	[hbm4b:s0+s4] =	stream.linear.scatter [tilespmem:s23], [sflag:$0x6], $0x8000, $0x38;
	[tilespmem:$0x1E800] =	vst v63  }
.LBB2_14:
0x2bc: {  	_ =	sfence.sel $0x180000  }
0x2bd: {  	[bflag:$0x0] =	sbarrier.arrive $0xFFFF  }
0x2be: {  	_ =	strace $0x90000047  }
0x2bf: {  	s0 =	stileid.u32;
	[bflag:$0x2] =	sbarrier.arrive $0xFFFF  }
0x2c0: {  	p0 =	sne.s32 s0, $0x0;
	s0 =	rddreg [dreg:$0x3]  }
0x2c1: {  	s0 =	sadd.s32 @!p0 $0x100000, s0  }
0x2c2: {  	[sflag:s0] =	ssyncadd.tile.s32 @!p0 $0x1;
	_ =	shalt  }
.Lfunc_end2:
_tile_overlayer_lowered:
.L_overlay_start_2:
0x2c3: {  	(tag) =	ssettag $0x2  }
0x2c4: {  	s0 =	rddreg [dreg:$0x0];
	s2 =	stileid.u32  }
0x2c5: {  	s1 =	rddreg [dreg:$0x1];
	p0 =	sne.s32 s2, $0x0  }
0x2c6: {  	s3 =	rddreg [dreg:$0x2];
	[bflag:$0x3] =	sbarrier.arrive $0xFFFF;
	s2 =	simm.s32 @!p0 $0x1C07  }
0x2c7: {  	[timem:s3], [sflag:s2] =	dma.local @!p0 [hbm:s0], s1  }
0x2c8: {  	s0 =	simm.s32 @!p0 $0x7  }
0x2c9: {  	_ =	swait.ge @!p0 [sflag:s0], s1  }
0x2ca: {  	s1 =	ssub.s32 @!p0 $0x0, s1;
	[sflag:s0] =	ssyncset.done @!p0 $0x0  }
0x2cb: {  	[sflag:s0] =	ssyncadd.s32 @!p0 s1  }
0x2cc: {  	[bflag:$0x3] =	sbarrier.arrive $0xFFFF  }
0x2cd: {  	_ =	shalt  }

</sc_bundles>
